<compile_context>
chip_gen: v7x
topology: tpu7x:2x2x1
jax: 0.10.2.dev20260603
libtpu: 0.0.44.dev20260713+nightly
codegen_flags: <defaults>
</compile_context>

<pallas_src>
import dataclasses
import functools

import jax
import jax.numpy as jnp
from jax import lax
from jax.experimental import pallas as pl
from jax.experimental.pallas import tpu as pltpu
from jax.experimental.pallas import tpu_sc as plsc

K = 1024
R = 16.0
W = 2.0 * R / K
L = 16
NC, NS = 2, 16
NW = NC * NS
N = 16 * 512 * 512
HL = 2 * K * L
BLK = 16384


def _prep_body(p_ref, l_ref, o_ref):
    p = p_ref[0]
    l = l_ref[0]
    s = 2.0 * l - 1.0
    bf = 544.0 - 32.0 * (p * s)
    bf = jnp.minimum(jnp.maximum(bf, 0.0), float(K - 1))
    bf = bf + l * float(K)
    lanepat = jnp.bitwise_and(
        lax.broadcasted_iota(jnp.int32, (512, 512), 1), L - 1)
    idx = bf.astype(jnp.int32) * L + lanepat
    w0 = jnp.bitwise_or(idx[:, 0:128], jnp.left_shift(idx[:, 128:256], 16))
    w1 = jnp.bitwise_or(idx[:, 256:384], jnp.left_shift(idx[:, 384:512], 16))
    o_ref[pl.ds(0, 512), :] = w0
    o_ref[pl.ds(512, 512), :] = w1


def _tc_prep(pred, lab):
    return pl.pallas_call(
        _prep_body,
        grid=(16,),
        in_specs=[
            pl.BlockSpec((1, 512, 512), lambda i: (i, 0, 0)),
            pl.BlockSpec((1, 512, 512), lambda i: (i, 0, 0)),
        ],
        out_specs=pl.BlockSpec((1024, 128), lambda i: (i, 0)),
        out_shape=jax.ShapeDtypeStruct((16384, 128), jnp.int32),
    )(pred, lab)


def _sc_histogram(idx_flat):
    mesh = plsc.VectorSubcoreMesh(core_axis_name="c", subcore_axis_name="s")
    cp = pltpu.CompilerParams()
    if "needs_layout_passes" in pltpu.CompilerParams.__dataclass_fields__:
        cp = dataclasses.replace(cp, needs_layout_passes=False)

    @functools.partial(
        pl.kernel,
        compiler_params=cp,
        out_type=jax.ShapeDtypeStruct((NW * HL,), jnp.float32),
        mesh=mesh,
        scratch_types=[pltpu.VMEM((HL,), jnp.float32)],
    )
    def sc_kernel(idx_hbm, out_h, h2):
        wid = lax.axis_index("s") * NC + lax.axis_index("c")

        zeros = jnp.zeros((L,), jnp.float32)

        @pl.loop(0, HL, step=L, unroll=8)
        def _(i):
            h2[pl.ds(i, L)] = zeros

        ones = jnp.ones((L,), jnp.float32)

        def body(i_v):
            @plsc.parallel_loop(0, BLK, L, unroll=16)
            def _(i):
                w = i_v[pl.ds(i, L)]
                ia = jnp.bitwise_and(w, 0xFFFF)
                ib = jax.lax.shift_right_logical(w, 16)
                plsc.addupdate_scatter(h2, [ia], ones)
                plsc.addupdate_scatter(h2, [ib], ones)

        pltpu.emit_pipeline(
            body,
            grid=(N // 2 // BLK,),
            in_specs=[pl.BlockSpec((BLK,), lambda i: (i,))],
            out_specs=[],
            core_axis_name=("c", "s"),
            dimension_semantics=(pltpu.PARALLEL,),
        )(idx_hbm)

        pltpu.sync_copy(h2, out_h.at[pl.ds(wid * HL, HL)])

    return sc_kernel(idx_flat)


def _tc_epilogue_body(h_ref, out_ref):
    A4 = jnp.sum(h_ref[...], axis=0)
    NEG = A4[0]
    POS = A4[1]

    c_i = lax.broadcasted_iota(jnp.int32, (128, 8), 0)
    j_i = lax.broadcasted_iota(jnp.int32, (128, 8), 1)
    G = (c_i // L == j_i).astype(jnp.float32)
    A2 = jnp.dot(NEG + POS, G, preferred_element_type=jnp.float32)
    P2 = jnp.dot(POS, G, preferred_element_type=jnp.float32)
    P = jnp.sum(P2)

    jj = lax.broadcasted_iota(jnp.int32, (8, 8), 0)
    j0 = lax.broadcasted_iota(jnp.int32, (8, 8), 1)
    Bm = (jj >= j0).astype(jnp.float32)
    sa = jnp.dot(A2, Bm, preferred_element_type=jnp.float32)
    sp = jnp.dot(P2, Bm, preferred_element_type=jnp.float32)

    ra = jnp.sum(A2, axis=1, keepdims=True)
    rp_ = jnp.sum(P2, axis=1, keepdims=True)
    r_i = lax.broadcasted_iota(jnp.int32, (128, 128), 0)
    rp = lax.broadcasted_iota(jnp.int32, (128, 128), 1)
    M = (rp > r_i).astype(jnp.float32)
    la = jnp.dot(M, ra, preferred_element_type=jnp.float32)
    lp = jnp.dot(M, rp_, preferred_element_type=jnp.float32)

    n_at = sa + la
    p_at = sp + lp
    f_at = n_at - p_at
    iou = n_at / jnp.maximum(P + f_at, 1.0)

    rmask = (lax.broadcasted_iota(jnp.int32, (128, 8), 0) >= 64).astype(
        jnp.float32)
    n0 = jnp.sum(A2 * rmask)
    p0 = jnp.sum(P2 * rmask)
    iou0 = n0 / jnp.maximum(P + (n0 - p0), 1.0)
    loss = jnp.float32(W) * (jnp.sum(iou * rmask) - 0.5 * iou0)
    out_ref[...] = jnp.broadcast_to(loss, (1, 1))


def kernel(prediction, label):
    idx32 = _tc_prep(prediction, label)
    hist = _sc_histogram(idx32.reshape(-1))
    h4 = hist.reshape(NW, 2, 128, 128)
    loss2d = pl.pallas_call(
        _tc_epilogue_body,
        out_shape=jax.ShapeDtypeStruct((1, 1), jnp.float32),
    )(h4)
    return loss2d[0, 0]

# --- scband reference (transcript-rebuilt; emitter-appended) ---
"""Pipeline reference for scband-lovasz-hinge-loss-1580547966930 (READ-ONLY COPY).

The authoritative reference and input builder live on the scoring server;
editing this copy changes nothing except your own understanding.
"""

import jax, jax.numpy as jnp
import numpy as np


def setup_inputs(seed: int = 0) -> dict:
    key = jax.random.key(seed)
    k1, k2 = jax.random.split(key)
    prediction = jax.random.normal(k1, (16, 512, 512), dtype=jnp.float32)
    label = jax.random.randint(k2, (16, 512, 512), 0, 2).astype(jnp.float32)
    return {"prediction": prediction, "label": label}


def reference(prediction, label):
    # flatten
    prediction = prediction.reshape(-1)
    label = label.reshape(-1)
    # hinge errors
    signs = 2.0 * label - 1.0
    error = 1.0 - prediction * signs
    # sort errors descending (torch.sort(..., descending=True))
    permutation = jnp.argsort(-error)
    errors_sorted = error[permutation]
    label_sorted = label[permutation]
    # lovasz gradient of sorted labels
    label_sum = label_sorted.sum()
    intersection = label_sum - jnp.cumsum(label_sorted, axis=0)
    union = label_sum + jnp.cumsum(1.0 - label_sorted, axis=0)
    iou = 1.0 - intersection / union
    iou = jnp.concatenate([iou[:1], iou[1:] - iou[:-1]], axis=0)
    loss = jnp.dot(jax.nn.relu(errors_sorted), iou)
    return loss

if __name__ == "__main__":
    import jax
    _d = setup_inputs()
    print(jax.jit(kernel)(*tuple(_d.values())))

</pallas_src>

<mosaic_0001>
#map = affine_map<(d0, d1) -> (0)>
module attributes {stable_mosaic.version = 14 : i64} {
  func.func @sc_kernel(%arg0: i32, %arg1: i32, %arg2: memref<2097152xi32, #tpu.memory_space<hbm>>, %arg3: memref<1048576xf32, #tpu.memory_space<hbm>>, %arg4: memref<32768xf32, #tpu.memory_space<vmem>>) attributes {dimension_semantics = [#tpu.dimension_semantics<core_parallel>, #tpu.dimension_semantics<subcore_parallel>], iteration_bounds = array<i64: 2, 16>, scalar_prefetch = 0 : i64, scratch_operands = 1 : i64, tpu.core_type = #tpu.core_type<sc_vector_subcore>, window_params = [{transform_indices = #map}, {transform_indices = #map}]} {
    %mul3A = arith.constant 2 : i32
    %mul3A_0 = arith.muli %arg1, %mul3A : i32
    %add3A = arith.addi %mul3A_0, %arg0 : i32
    %broadcast_in_dim3A = arith.constant 0.000000e+00 : f32
    %broadcast_in_dim3A_1 = vector.broadcast %broadcast_in_dim3A : f32 to vector<16xf32>
    %scan3A = arith.constant 0 : i32
    %scan3A_2 = arith.constant 2048 : i32
    %scan3A_3 = arith.addi %scan3A, %scan3A_2 : i32
    %scan3A_4 = arith.constant 8 : i32
    scf.for %scan3A_19 = %scan3A to %scan3A_3 step %scan3A_4  : i32 {
      %mul3A_20 = arith.constant 16 : i32
      %mul3A_21 = arith.muli %scan3A_19, %mul3A_20 : i32
      %add3A_22 = arith.constant 0 : i32
      %add3A_23 = arith.addi %add3A_22, %mul3A_21 : i32
      %swap3A = arith.index_cast %add3A_23 : i32 to index
      %swap3A_24 = tpu.vector_load %arg4[%swap3A] {strides = array<i32>} : memref<32768xf32, #tpu.memory_space<vmem>>, vector<16xf32>,
      tpu.vector_store %arg4[%swap3A], %broadcast_in_dim3A_1 {strides = array<i32>} : memref<32768xf32, #tpu.memory_space<vmem>>, vector<16xf32>,
      %scan3A_25 = arith.constant 1 : i32
      %scan3A_26 = arith.addi %scan3A_19, %scan3A_25 : i32
      %mul3A_27 = arith.constant 16 : i32
      %mul3A_28 = arith.muli %scan3A_26, %mul3A_27 : i32
      %add3A_29 = arith.constant 0 : i32
      %add3A_30 = arith.addi %add3A_29, %mul3A_28 : i32
      %swap3A_31 = arith.index_cast %add3A_30 : i32 to index
      %swap3A_32 = tpu.vector_load %arg4[%swap3A_31] {strides = array<i32>} : memref<32768xf32, #tpu.memory_space<vmem>>, vector<16xf32>,
      tpu.vector_store %arg4[%swap3A_31], %broadcast_in_dim3A_1 {strides = array<i32>} : memref<32768xf32, #tpu.memory_space<vmem>>, vector<16xf32>,
      %scan3A_33 = arith.constant 2 : i32
      %scan3A_34 = arith.addi %scan3A_19, %scan3A_33 : i32
      %mul3A_35 = arith.constant 16 : i32
      %mul3A_36 = arith.muli %scan3A_34, %mul3A_35 : i32
      %add3A_37 = arith.constant 0 : i32
      %add3A_38 = arith.addi %add3A_37, %mul3A_36 : i32
      %swap3A_39 = arith.index_cast %add3A_38 : i32 to index
      %swap3A_40 = tpu.vector_load %arg4[%swap3A_39] {strides = array<i32>} : memref<32768xf32, #tpu.memory_space<vmem>>, vector<16xf32>,
      tpu.vector_store %arg4[%swap3A_39], %broadcast_in_dim3A_1 {strides = array<i32>} : memref<32768xf32, #tpu.memory_space<vmem>>, vector<16xf32>,
      %scan3A_41 = arith.constant 3 : i32
      %scan3A_42 = arith.addi %scan3A_19, %scan3A_41 : i32
      %mul3A_43 = arith.constant 16 : i32
      %mul3A_44 = arith.muli %scan3A_42, %mul3A_43 : i32
      %add3A_45 = arith.constant 0 : i32
      %add3A_46 = arith.addi %add3A_45, %mul3A_44 : i32
      %swap3A_47 = arith.index_cast %add3A_46 : i32 to index
      %swap3A_48 = tpu.vector_load %arg4[%swap3A_47] {strides = array<i32>} : memref<32768xf32, #tpu.memory_space<vmem>>, vector<16xf32>,
      tpu.vector_store %arg4[%swap3A_47], %broadcast_in_dim3A_1 {strides = array<i32>} : memref<32768xf32, #tpu.memory_space<vmem>>, vector<16xf32>,
      %scan3A_49 = arith.constant 4 : i32
      %scan3A_50 = arith.addi %scan3A_19, %scan3A_49 : i32
      %mul3A_51 = arith.constant 16 : i32
      %mul3A_52 = arith.muli %scan3A_50, %mul3A_51 : i32
      %add3A_53 = arith.constant 0 : i32
      %add3A_54 = arith.addi %add3A_53, %mul3A_52 : i32
      %swap3A_55 = arith.index_cast %add3A_54 : i32 to index
      %swap3A_56 = tpu.vector_load %arg4[%swap3A_55] {strides = array<i32>} : memref<32768xf32, #tpu.memory_space<vmem>>, vector<16xf32>,
      tpu.vector_store %arg4[%swap3A_55], %broadcast_in_dim3A_1 {strides = array<i32>} : memref<32768xf32, #tpu.memory_space<vmem>>, vector<16xf32>,
      %scan3A_57 = arith.constant 5 : i32
      %scan3A_58 = arith.addi %scan3A_19, %scan3A_57 : i32
      %mul3A_59 = arith.constant 16 : i32
      %mul3A_60 = arith.muli %scan3A_58, %mul3A_59 : i32
      %add3A_61 = arith.constant 0 : i32
      %add3A_62 = arith.addi %add3A_61, %mul3A_60 : i32
      %swap3A_63 = arith.index_cast %add3A_62 : i32 to index
      %swap3A_64 = tpu.vector_load %arg4[%swap3A_63] {strides = array<i32>} : memref<32768xf32, #tpu.memory_space<vmem>>, vector<16xf32>,
      tpu.vector_store %arg4[%swap3A_63], %broadcast_in_dim3A_1 {strides = array<i32>} : memref<32768xf32, #tpu.memory_space<vmem>>, vector<16xf32>,
      %scan3A_65 = arith.constant 6 : i32
      %scan3A_66 = arith.addi %scan3A_19, %scan3A_65 : i32
      %mul3A_67 = arith.constant 16 : i32
      %mul3A_68 = arith.muli %scan3A_66, %mul3A_67 : i32
      %add3A_69 = arith.constant 0 : i32
      %add3A_70 = arith.addi %add3A_69, %mul3A_68 : i32
      %swap3A_71 = arith.index_cast %add3A_70 : i32 to index
      %swap3A_72 = tpu.vector_load %arg4[%swap3A_71] {strides = array<i32>} : memref<32768xf32, #tpu.memory_space<vmem>>, vector<16xf32>,
      tpu.vector_store %arg4[%swap3A_71], %broadcast_in_dim3A_1 {strides = array<i32>} : memref<32768xf32, #tpu.memory_space<vmem>>, vector<16xf32>,
      %scan3A_73 = arith.constant 7 : i32
      %scan3A_74 = arith.addi %scan3A_19, %scan3A_73 : i32
      %mul3A_75 = arith.constant 16 : i32
      %mul3A_76 = arith.muli %scan3A_74, %mul3A_75 : i32
      %add3A_77 = arith.constant 0 : i32
      %add3A_78 = arith.addi %add3A_77, %mul3A_76 : i32
      %swap3A_79 = arith.index_cast %add3A_78 : i32 to index
      %swap3A_80 = tpu.vector_load %arg4[%swap3A_79] {strides = array<i32>} : memref<32768xf32, #tpu.memory_space<vmem>>, vector<16xf32>,
      tpu.vector_store %arg4[%swap3A_79], %broadcast_in_dim3A_1 {strides = array<i32>} : memref<32768xf32, #tpu.memory_space<vmem>>, vector<16xf32>,
    }
    %scan3A_5 = arith.constant 2048 : i32
    %broadcast_in_dim3A_6 = arith.constant 1.000000e+00 : f32
    %broadcast_in_dim3A_7 = vector.broadcast %broadcast_in_dim3A_6 : f32 to vector<16xf32>
    %mul3A_8 = arith.constant 1 : i32
    %mul3A_9 = arith.muli %arg1, %mul3A_8 : i32
    %add3A_10 = arith.constant 0 : i32
    %add3A_11 = arith.addi %add3A_10, %mul3A_9 : i32
    %mul3A_12 = arith.constant 16 : i32
    %mul3A_13 = arith.muli %arg0, %mul3A_12 : i32
    %add3A_14 = arith.addi %add3A_11, %mul3A_13 : i32
    %mul3A_15 = arith.constant 4 : i32
    %mul3A_16 = arith.muli %add3A_14, %mul3A_15 : i32
    "tpu.region"() ({
      %run_scoped3A = memref.alloca() : memref<32768xi32, #tpu.memory_space<vmem>>
      %run_scoped3A_19 = tpu.sem_alloc : memref<2x!tpu.dma_semaphore, #tpu.memory_space<semaphore_mem>>
      %add3A_20 = arith.constant 0 : i32
      %add3A_21 = arith.addi %add3A_20, %mul3A_16 : i32
      %select_n3A = arith.constant true
      %select_n3A_22 = arith.constant 0 : i32
      %select_n3A_23 = arith.constant -1 : i32
      %select_n3A_24 = arith.select %select_n3A, %select_n3A_23, %select_n3A_22 : i32
      %eq3A = arith.constant -1 : i32
      %eq3A_25 = arith.cmpi eq, %select_n3A_24, %eq3A : i32
      %select_n3A_26 = arith.constant 3 : i32
      %select_n3A_27 = arith.select %eq3A_25, %select_n3A_26, %select_n3A_24 : i32
      %add3A_28 = arith.addi %select_n3A_27, %mul3A_16 : i32
      %select_n3A_29 = arith.constant true
      %select_n3A_30 = arith.constant 0 : i32
      %select_n3A_31 = arith.constant 1 : i32
      %select_n3A_32 = arith.select %select_n3A_29, %select_n3A_31, %select_n3A_30 : i32
      %eq3A_33 = arith.constant 4 : i32
      %eq3A_34 = arith.cmpi eq, %select_n3A_32, %eq3A_33 : i32
      %select_n3A_35 = arith.constant 0 : i32
      %select_n3A_36 = arith.select %eq3A_34, %select_n3A_35, %select_n3A_32 : i32
      %add3A_37 = arith.addi %select_n3A_36, %mul3A_16 : i32
      %add3A_38 = arith.constant 1 : i32
      %add3A_39 = arith.addi %select_n3A_36, %add3A_38 : i32
      %select_n3A_40 = arith.constant true
      %select_n3A_41 = arith.select %select_n3A_40, %add3A_39, %select_n3A_36 : i32
      %eq3A_42 = arith.constant 4 : i32
      %eq3A_43 = arith.cmpi eq, %select_n3A_41, %eq3A_42 : i32
      %select_n3A_44 = arith.constant 0 : i32
      %select_n3A_45 = arith.select %eq3A_43, %select_n3A_44, %select_n3A_41 : i32
      %add3A_46 = arith.addi %select_n3A_45, %mul3A_16 : i32
      "tpu.trace_start"() <{level = 10 : i32, message = "ep_initialize_0"}> : () -> ()
      %rem3A = arith.constant 0 : i32
      %rem3A_47 = arith.constant 2 : i32
      %rem3A_48 = arith.remui %rem3A, %rem3A_47 : i32
      %mul3A_49 = arith.constant 16384 : i32
      %mul3A_50 = arith.muli %mul3A_49, %add3A_21 : i32
      %mul3A_51 = arith.constant 16384 : i32
      %mul3A_52 = arith.muli %rem3A_48, %mul3A_51 : i32
      %add3A_53 = arith.constant 0 : i32
      %add3A_54 = arith.addi %mul3A_52, %add3A_53 : i32
      %dma_start3A = tpu.memref_slice %run_scoped3A[%add3A_54] : memref<32768xi32, #tpu.memory_space<vmem>> -> memref<16384xi32, #tpu.memory_space<vmem>>
      %dma_start3A_55 = tpu.memref_slice %arg2[%mul3A_50] : memref<2097152xi32, #tpu.memory_space<hbm>> -> memref<16384xi32, #tpu.memory_space<hbm>>
      %dma_start3A_56 = tpu.memref_slice %run_scoped3A_19[%rem3A_48] : memref<2x!tpu.dma_semaphore, #tpu.memory_space<semaphore_mem>> -> memref<1x!tpu.dma_semaphore, #tpu.memory_space<semaphore_mem>>
      %dma_start3A_57 = tpu.memref_squeeze %dma_start3A_56 : memref<1x!tpu.dma_semaphore, #tpu.memory_space<semaphore_mem>> -> memref<!tpu.dma_semaphore, #tpu.memory_space<semaphore_mem>>
      %dma_start3A_58 = tpu.memref_slice %run_scoped3A[%add3A_54] : memref<32768xi32, #tpu.memory_space<vmem>> -> memref<16384xi32, #tpu.memory_space<vmem>>
      %dma_start3A_59 = tpu.memref_slice %arg2[%mul3A_50] : memref<2097152xi32, #tpu.memory_space<hbm>> -> memref<16384xi32, #tpu.memory_space<hbm>>
      tpu.enqueue_dma source(%dma_start3A_59 : memref<16384xi32, #tpu.memory_space<hbm>>) target(%dma_start3A_58 : memref<16384xi32, #tpu.memory_space<vmem>>) target_semaphore(%dma_start3A_57 : memref<!tpu.dma_semaphore, #tpu.memory_space<semaphore_mem>>)
      %add3A_60 = arith.constant 0 : i32
      %add3A_61 = arith.constant 1 : i32
      %add3A_62 = arith.addi %add3A_60, %add3A_61 : i32
      %select_n3A_63 = arith.constant true
      %select_n3A_64 = arith.constant 0 : i32
      %select_n3A_65 = arith.select %select_n3A_63, %add3A_62, %select_n3A_64 : i32
      "tpu.trace_stop"() : () -> ()
      %scan3A_66 = arith.constant 0 : i32
      %scan3A_67 = arith.constant 0 : i32
      %scan3A_68 = arith.constant 0 : i32
      %scan3A_69 = arith.constant 4 : i32
      %scan3A_70 = arith.addi %scan3A_68, %scan3A_69 : i32
      %scan3A_71 = arith.constant 1 : i32
      %scan3A_72:3 = scf.for %scan3A_109 = %scan3A_68 to %scan3A_70 step %scan3A_71 iter_args(%scan3A_110 = %select_n3A_65, %scan3A_111 = %scan3A_66, %scan3A_112 = %scan3A_67) -> (i32, i32, i32)  : i32 {
        %eq3A_113 = arith.constant 0 : i32
        %eq3A_114 = arith.cmpi eq, %scan3A_109, %eq3A_113 : i32
        %eq3A_115 = arith.constant 3 : i32
        %eq3A_116 = arith.cmpi eq, %scan3A_109, %eq3A_115 : i32
        %add3A_117 = arith.addi %scan3A_112, %mul3A_16 : i32
        %sub3A_118 = arith.constant 1 : i32
        %sub3A_119 = arith.subi %scan3A_112, %sub3A_118 : i32
        %select_n3A_120 = arith.constant true
        %select_n3A_121 = arith.select %select_n3A_120, %sub3A_119, %scan3A_112 : i32
        %eq3A_122 = arith.constant -1 : i32
        %eq3A_123 = arith.cmpi eq, %select_n3A_121, %eq3A_122 : i32
        %select_n3A_124 = arith.constant 3 : i32
        %select_n3A_125 = arith.select %eq3A_123, %select_n3A_124, %select_n3A_121 : i32
        %add3A_126 = arith.addi %select_n3A_125, %mul3A_16 : i32
        %add3A_127 = arith.constant 1 : i32
        %add3A_128 = arith.addi %scan3A_112, %add3A_127 : i32
        %select_n3A_129 = arith.constant true
        %select_n3A_130 = arith.select %select_n3A_129, %add3A_128, %scan3A_112 : i32
        %eq3A_131 = arith.constant 4 : i32
        %eq3A_132 = arith.cmpi eq, %select_n3A_130, %eq3A_131 : i32
        %select_n3A_133 = arith.constant 0 : i32
        %select_n3A_134 = arith.select %eq3A_132, %select_n3A_133, %select_n3A_130 : i32
        %add3A_135 = arith.addi %select_n3A_134, %mul3A_16 : i32
        %add3A_136 = arith.constant 1 : i32
        %add3A_137 = arith.addi %select_n3A_134, %add3A_136 : i32
        %select_n3A_138 = arith.constant true
        %select_n3A_139 = arith.select %select_n3A_138, %add3A_137, %select_n3A_134 : i32
        %eq3A_140 = arith.constant 4 : i32
        %eq3A_141 = arith.cmpi eq, %select_n3A_139, %eq3A_140 : i32
        %select_n3A_142 = arith.constant 0 : i32
        %select_n3A_143 = arith.select %eq3A_141, %select_n3A_142, %select_n3A_139 : i32
        %add3A_144 = arith.addi %select_n3A_143, %mul3A_16 : i32
        %ne3A = arith.cmpi ne, %add3A_117, %add3A_135 : i32
        %or3A = arith.constant false
        %or3A_145 = arith.ori %or3A, %ne3A : i1
        %ge3A = arith.constant 3 : i32
        %ge3A_146 = arith.cmpi sge, %scan3A_109, %ge3A : i32
        %not3A = arith.constant true
        %not3A_147 = arith.xori %ge3A_146, %not3A : i1
        %and3A = arith.andi %or3A_145, %not3A_147 : i1
        %convert_element_type3A = arith.extui %and3A : i1 to i32
        %cond3A = arith.constant 0 : i32
        %cond3A_148 = arith.cmpi ne, %convert_element_type3A, %cond3A : i32
        scf.if %cond3A_148 {
          "tpu.trace_start"() <{level = 10 : i32, message = "ep_copy_in"}> : () -> ()
          %rem3A_202 = arith.constant 2 : i32
          %rem3A_203 = arith.remui %scan3A_110, %rem3A_202 : i32
          %mul3A_204 = arith.constant 16384 : i32
          %mul3A_205 = arith.muli %mul3A_204, %add3A_135 : i32
          %mul3A_206 = arith.constant 16384 : i32
          %mul3A_207 = arith.muli %rem3A_203, %mul3A_206 : i32
          %add3A_208 = arith.constant 0 : i32
          %add3A_209 = arith.addi %mul3A_207, %add3A_208 : i32
          %dma_start3A_210 = tpu.memref_slice %run_scoped3A[%add3A_209] : memref<32768xi32, #tpu.memory_space<vmem>> -> memref<16384xi32, #tpu.memory_space<vmem>>
          %dma_start3A_211 = tpu.memref_slice %arg2[%mul3A_205] : memref<2097152xi32, #tpu.memory_space<hbm>> -> memref<16384xi32, #tpu.memory_space<hbm>>
          %dma_start3A_212 = tpu.memref_slice %run_scoped3A_19[%rem3A_203] : memref<2x!tpu.dma_semaphore, #tpu.memory_space<semaphore_mem>> -> memref<1x!tpu.dma_semaphore, #tpu.memory_space<semaphore_mem>>
          %dma_start3A_213 = tpu.memref_squeeze %dma_start3A_212 : memref<1x!tpu.dma_semaphore, #tpu.memory_space<semaphore_mem>> -> memref<!tpu.dma_semaphore, #tpu.memory_space<semaphore_mem>>
          %dma_start3A_214 = tpu.memref_slice %run_scoped3A[%add3A_209] : memref<32768xi32, #tpu.memory_space<vmem>> -> memref<16384xi32, #tpu.memory_space<vmem>>
          %dma_start3A_215 = tpu.memref_slice %arg2[%mul3A_205] : memref<2097152xi32, #tpu.memory_space<hbm>> -> memref<16384xi32, #tpu.memory_space<hbm>>
          tpu.enqueue_dma source(%dma_start3A_215 : memref<16384xi32, #tpu.memory_space<hbm>>) target(%dma_start3A_214 : memref<16384xi32, #tpu.memory_space<vmem>>) target_semaphore(%dma_start3A_213 : memref<!tpu.dma_semaphore, #tpu.memory_space<semaphore_mem>>)
          "tpu.trace_stop"() : () -> ()
        } else {
        }
        %and3A_149 = arith.constant true
        %and3A_150 = arith.andi %and3A, %and3A_149 : i1
        %add3A_151 = arith.constant 1 : i32
        %add3A_152 = arith.addi %scan3A_110, %add3A_151 : i32
        %select_n3A_153 = arith.select %and3A_150, %add3A_152, %scan3A_110 : i32
        %ne3A_154 = arith.cmpi ne, %add3A_117, %add3A_126 : i32
        %or3A_155 = arith.constant false
        %or3A_156 = arith.ori %or3A_155, %ne3A_154 : i1
        %or3A_157 = arith.ori %or3A_156, %eq3A_114 : i1
        %convert_element_type3A_158 = arith.extui %or3A_157 : i1 to i32
        %cond3A_159 = arith.constant 0 : i32
        %cond3A_160 = arith.cmpi ne, %convert_element_type3A_158, %cond3A_159 : i32
        scf.if %cond3A_160 {
          "tpu.trace_start"() <{level = 10 : i32, message = "ep_wait_in"}> : () -> ()
          %mul3A_202 = arith.constant 16384 : i32
          %mul3A_203 = arith.muli %mul3A_202, %add3A_117 : i32
          %rem3A_204 = arith.constant 2 : i32
          %rem3A_205 = arith.remui %scan3A_111, %rem3A_204 : i32
          %mul3A_206 = arith.constant 16384 : i32
          %mul3A_207 = arith.muli %rem3A_205, %mul3A_206 : i32
          %add3A_208 = arith.constant 0 : i32
          %add3A_209 = arith.addi %mul3A_207, %add3A_208 : i32
          %dma_wait3A = tpu.memref_slice %run_scoped3A[%add3A_209] : memref<32768xi32, #tpu.memory_space<vmem>> -> memref<16384xi32, #tpu.memory_space<vmem>>
          %dma_wait3A_210 = tpu.memref_slice %arg2[%mul3A_203] : memref<2097152xi32, #tpu.memory_space<hbm>> -> memref<16384xi32, #tpu.memory_space<hbm>>
          %dma_wait3A_211 = tpu.memref_slice %run_scoped3A_19[%rem3A_205] : memref<2x!tpu.dma_semaphore, #tpu.memory_space<semaphore_mem>> -> memref<1x!tpu.dma_semaphore, #tpu.memory_space<semaphore_mem>>
          %dma_wait3A_212 = tpu.memref_squeeze %dma_wait3A_211 : memref<1x!tpu.dma_semaphore, #tpu.memory_space<semaphore_mem>> -> memref<!tpu.dma_semaphore, #tpu.memory_space<semaphore_mem>>
          %dma_wait3A_213 = tpu.memref_slice %run_scoped3A[%add3A_209] : memref<32768xi32, #tpu.memory_space<vmem>> -> memref<16384xi32, #tpu.memory_space<vmem>>
          %dma_wait3A_214 = tpu.memref_slice %arg2[%mul3A_203] : memref<2097152xi32, #tpu.memory_space<hbm>> -> memref<16384xi32, #tpu.memory_space<hbm>>
          tpu.wait_dma2 semaphore(%dma_wait3A_212 : memref<!tpu.dma_semaphore, #tpu.memory_space<semaphore_mem>>) src(%dma_wait3A_214 : memref<16384xi32, #tpu.memory_space<hbm>>) dst(%dma_wait3A_213 : memref<16384xi32, #tpu.memory_space<vmem>>)
          "tpu.trace_stop"() : () -> ()
        } else {
        }
        %rem3A_161 = arith.constant 2 : i32
        %rem3A_162 = arith.remui %scan3A_111, %rem3A_161 : i32
        %mul3A_163 = arith.constant 16384 : i32
        %mul3A_164 = arith.muli %rem3A_162, %mul3A_163 : i32
        %parallel_loop3A = arith.constant 0 : i32
        %parallel_loop3A_165 = arith.constant 16384 : i32
        %parallel_loop3A_166 = arith.constant 16 : i32
        "tpu.trace_start"() <{level = 10 : i32, message = "ep_run_kernel"}> : () -> ()
        scf.for %parallel_loop3A_202 = %parallel_loop3A to %parallel_loop3A_165 step %parallel_loop3A_166  : i32 {
          %parallel_loop3A_203 = tpu.memref_slice %run_scoped3A[%mul3A_164] : memref<32768xi32, #tpu.memory_space<vmem>> -> memref<16384xi32, #tpu.memory_space<vmem>>
          %parallel_loop3A_204 = arith.index_cast %parallel_loop3A_202 : i32 to index
          %parallel_loop3A_205 = tpu.vector_load %parallel_loop3A_203[%parallel_loop3A_204] {strides = array<i32>} : memref<16384xi32, #tpu.memory_space<vmem>>, vector<16xi32>,
          %parallel_loop3A_206 = arith.constant 65535 : i32
          %parallel_loop3A_207 = vector.broadcast %parallel_loop3A_206 : i32 to vector<16xi32>
          %parallel_loop3A_208 = arith.andi %parallel_loop3A_205, %parallel_loop3A_207 : vector<16xi32>
          %parallel_loop3A_209 = arith.constant 16 : i32
          %parallel_loop3A_210 = vector.broadcast %parallel_loop3A_209 : i32 to vector<16xi32>
          %parallel_loop3A_211 = arith.shrui %parallel_loop3A_205, %parallel_loop3A_210 : vector<16xi32>
          tpu.vector_store_idx %arg4[%parallel_loop3A_208], %broadcast_in_dim3A_7 {add = true} : memref<32768xf32, #tpu.memory_space<vmem>>[vector<16xi32>], vector<16xf32>,
          tpu.vector_store_idx %arg4[%parallel_loop3A_211], %broadcast_in_dim3A_7 {add = true} : memref<32768xf32, #tpu.memory_space<vmem>>[vector<16xi32>], vector<16xf32>,
        } {sc.loop_unroll_factor = 16 : i64, sc.parallel_access}
        "tpu.trace_stop"() : () -> ()
        %ne3A_167 = arith.cmpi ne, %add3A_117, %add3A_135 : i32
        %or3A_168 = arith.constant false
        %or3A_169 = arith.ori %or3A_168, %ne3A_167 : i1
        %or3A_170 = arith.ori %or3A_169, %eq3A_116 : i1
        %convert_element_type3A_171 = arith.extui %or3A_170 : i1 to i32
        %cond3A_172 = arith.constant 0 : i32
        %cond3A_173 = arith.cmpi ne, %convert_element_type3A_171, %cond3A_172 : i32
        scf.if %cond3A_173 {
        } else {
        }
        %and3A_174 = arith.constant false
        %and3A_175 = arith.andi %or3A_170, %and3A_174 : i1
        %ne3A_176 = arith.cmpi ne, %add3A_117, %add3A_126 : i32
        %or3A_177 = arith.constant false
        %or3A_178 = arith.ori %or3A_177, %ne3A_176 : i1
        %not3A_179 = arith.constant true
        %not3A_180 = arith.xori %eq3A_114, %not3A_179 : i1
        %and3A_181 = arith.andi %or3A_178, %not3A_180 : i1
        %convert_element_type3A_182 = arith.extui %and3A_181 : i1 to i32
        %cond3A_183 = arith.constant 0 : i32
        %cond3A_184 = arith.cmpi ne, %convert_element_type3A_182, %cond3A_183 : i32
        scf.if %cond3A_184 {
        } else {
        }
        %and3A_185 = arith.constant false
        %and3A_186 = arith.andi %and3A_181, %and3A_185 : i1
        %ne3A_187 = arith.cmpi ne, %add3A_117, %add3A_135 : i32
        %or3A_188 = arith.constant false
        %or3A_189 = arith.ori %or3A_188, %ne3A_187 : i1
        %or3A_190 = arith.ori %or3A_189, %eq3A_116 : i1
        %add3A_191 = arith.constant 1 : i32
        %add3A_192 = arith.addi %scan3A_111, %add3A_191 : i32
        %select_n3A_193 = arith.select %or3A_190, %add3A_192, %scan3A_111 : i32
        %add3A_194 = arith.constant 1 : i32
        %add3A_195 = arith.addi %scan3A_112, %add3A_194 : i32
        %select_n3A_196 = arith.constant true
        %select_n3A_197 = arith.select %select_n3A_196, %add3A_195, %scan3A_112 : i32
        %eq3A_198 = arith.constant 4 : i32
        %eq3A_199 = arith.cmpi eq, %select_n3A_197, %eq3A_198 : i32
        %select_n3A_200 = arith.constant 0 : i32
        %select_n3A_201 = arith.select %eq3A_199, %select_n3A_200, %select_n3A_197 : i32
        scf.yield %select_n3A_153, %select_n3A_193, %select_n3A_201 : i32, i32, i32
      }
      %scan3A_73 = arith.constant 4 : i32
      %sub3A = arith.constant 1 : i32
      %sub3A_74 = arith.subi %scan3A_72#2, %sub3A : i32
      %select_n3A_75 = arith.constant true
      %select_n3A_76 = arith.select %select_n3A_75, %sub3A_74, %scan3A_72#2 : i32
      %eq3A_77 = arith.constant -1 : i32
      %eq3A_78 = arith.cmpi eq, %select_n3A_76, %eq3A_77 : i32
      %select_n3A_79 = arith.constant 3 : i32
      %select_n3A_80 = arith.select %eq3A_78, %select_n3A_79, %select_n3A_76 : i32
      %add3A_81 = arith.addi %select_n3A_80, %mul3A_16 : i32
      %sub3A_82 = arith.constant 1 : i32
      %sub3A_83 = arith.subi %select_n3A_80, %sub3A_82 : i32
      %select_n3A_84 = arith.constant true
      %select_n3A_85 = arith.select %select_n3A_84, %sub3A_83, %select_n3A_80 : i32
      %eq3A_86 = arith.constant -1 : i32
      %eq3A_87 = arith.cmpi eq, %select_n3A_85, %eq3A_86 : i32
      %select_n3A_88 = arith.constant 3 : i32
      %select_n3A_89 = arith.select %eq3A_87, %select_n3A_88, %select_n3A_85 : i32
      %add3A_90 = arith.addi %select_n3A_89, %mul3A_16 : i32
      %add3A_91 = arith.constant 1 : i32
      %add3A_92 = arith.addi %select_n3A_80, %add3A_91 : i32
      %select_n3A_93 = arith.constant true
      %select_n3A_94 = arith.select %select_n3A_93, %add3A_92, %select_n3A_80 : i32
      %eq3A_95 = arith.constant 4 : i32
      %eq3A_96 = arith.cmpi eq, %select_n3A_94, %eq3A_95 : i32
      %select_n3A_97 = arith.constant 0 : i32
      %select_n3A_98 = arith.select %eq3A_96, %select_n3A_97, %select_n3A_94 : i32
      %add3A_99 = arith.addi %select_n3A_98, %mul3A_16 : i32
      %add3A_100 = arith.constant 1 : i32
      %add3A_101 = arith.addi %select_n3A_98, %add3A_100 : i32
      %select_n3A_102 = arith.constant true
      %select_n3A_103 = arith.select %select_n3A_102, %add3A_101, %select_n3A_98 : i32
      %eq3A_104 = arith.constant 4 : i32
      %eq3A_105 = arith.cmpi eq, %select_n3A_103, %eq3A_104 : i32
      %select_n3A_106 = arith.constant 0 : i32
      %select_n3A_107 = arith.select %eq3A_105, %select_n3A_106, %select_n3A_103 : i32
      %add3A_108 = arith.addi %select_n3A_107, %mul3A_16 : i32
      tpu.yield
    }) : () -> ()
    %mul3A_17 = arith.constant 32768 : i32
    %mul3A_18 = arith.muli %add3A, %mul3A_17 : i32
    "tpu.region"() ({
      %run_scoped3A = tpu.sem_alloc : memref<!tpu.dma_semaphore, #tpu.memory_space<semaphore_mem>>
      %dma_start3A = tpu.memref_slice %arg3[%mul3A_18] : memref<1048576xf32, #tpu.memory_space<hbm>> -> memref<32768xf32, #tpu.memory_space<hbm>>
      %dma_start3A_19 = tpu.memref_slice %arg3[%mul3A_18] : memref<1048576xf32, #tpu.memory_space<hbm>> -> memref<32768xf32, #tpu.memory_space<hbm>>
      tpu.enqueue_dma source(%arg4 : memref<32768xf32, #tpu.memory_space<vmem>>) target(%dma_start3A_19 : memref<32768xf32, #tpu.memory_space<hbm>>) target_semaphore(%run_scoped3A : memref<!tpu.dma_semaphore, #tpu.memory_space<semaphore_mem>>)
      %dma_wait3A = tpu.memref_slice %arg3[%mul3A_18] : memref<1048576xf32, #tpu.memory_space<hbm>> -> memref<32768xf32, #tpu.memory_space<hbm>>
      %dma_wait3A_20 = tpu.memref_slice %arg3[%mul3A_18] : memref<1048576xf32, #tpu.memory_space<hbm>> -> memref<32768xf32, #tpu.memory_space<hbm>>
      tpu.wait_dma2 semaphore(%run_scoped3A : memref<!tpu.dma_semaphore, #tpu.memory_space<semaphore_mem>>) src(%arg4 : memref<32768xf32, #tpu.memory_space<vmem>>) dst(%dma_wait3A_20 : memref<32768xf32, #tpu.memory_space<hbm>>)
      tpu.yield
    }) : () -> ()
    return
  }
}

module attributes {stable_mosaic.version = 14 : i64} {
  func.func @_tc_epilogue_body(%arg0: memref<32x2x128x128xf32, #tpu.memory_space<vmem>>, %arg1: memref<1x1xf32, #tpu.memory_space<vmem>>) attributes {dimension_semantics = [], scalar_prefetch = 0 : i64, scratch_operands = 0 : i64, tpu.core_type = #tpu.core_type<tc>} {
    %get3A = arith.constant 0 : index
    %get3A_0 = arith.constant 0 : index
    %get3A_1 = arith.constant 0 : index
    %get3A_2 = arith.constant 0 : index
    %get3A_3 = vector.load %arg0[%get3A, %get3A_0, %get3A_1, %get3A_2] : memref<32x2x128x128xf32, #tpu.memory_space<vmem>>, vector<32x2x128x128xf32>
    %reduce_sum3A = arith.constant dense<0.000000e+00> : vector<2x128x128xf32>
    %reduce_sum3A_4 = vector.multi_reduction <add>, %get3A_3, %reduce_sum3A [0] : vector<32x2x128x128xf32> to vector<2x128x128xf32>
    %slice3A = vector.extract_strided_slice %reduce_sum3A_4 {offsets = [0, 0, 0], sizes = [1, 128, 128], strides = [1, 1, 1]} : vector<2x128x128xf32> to vector<1x128x128xf32>
    %squeeze3A = vector.shape_cast %slice3A : vector<1x128x128xf32> to vector<128x128xf32>
    %slice3A_5 = vector.extract_strided_slice %reduce_sum3A_4 {offsets = [1, 0, 0], sizes = [1, 128, 128], strides = [1, 1, 1]} : vector<2x128x128xf32> to vector<1x128x128xf32>
    %squeeze3A_6 = vector.shape_cast %slice3A_5 : vector<1x128x128xf32> to vector<128x128xf32>
    %iota3A = tpu.iota {dimensions = array<i32: 0>} : vector<128x8xi32>
    %iota3A_7 = tpu.iota {dimensions = array<i32: 1>} : vector<128x8xi32>
    %jit3A = arith.constant 16 : i32
    %div3A = vector.broadcast %jit3A : i32 to vector<128x8xi32>
    %div3A_8 = arith.divsi %iota3A, %div3A : vector<128x8xi32>
    %sign3A = arith.constant 0 : i32
    %sign3A_9 = vector.broadcast %sign3A : i32 to vector<128x8xi32>
    %sign3A_10 = arith.cmpi sgt, %iota3A, %sign3A_9 : vector<128x8xi32>
    %sign3A_11 = arith.extui %sign3A_10 : vector<128x8xi1> to vector<128x8xi32>
    %sign3A_12 = arith.constant 0 : i32
    %sign3A_13 = vector.broadcast %sign3A_12 : i32 to vector<128x8xi32>
    %sign3A_14 = arith.cmpi slt, %iota3A, %sign3A_13 : vector<128x8xi32>
    %sign3A_15 = arith.extui %sign3A_14 : vector<128x8xi1> to vector<128x8xi32>
    %sign3A_16 = arith.subi %sign3A_11, %sign3A_15 : vector<128x8xi32>
    %sign3A_17 = arith.constant 0 : i32
    %sign3A_18 = arith.cmpi sgt, %jit3A, %sign3A_17 : i32
    %sign3A_19 = arith.extui %sign3A_18 : i1 to i32
    %sign3A_20 = arith.constant 0 : i32
    %sign3A_21 = arith.cmpi slt, %jit3A, %sign3A_20 : i32
    %sign3A_22 = arith.extui %sign3A_21 : i1 to i32
    %sign3A_23 = arith.subi %sign3A_19, %sign3A_22 : i32
    %ne3A = vector.broadcast %sign3A_23 : i32 to vector<128x8xi32>
    %ne3A_24 = arith.cmpi ne, %sign3A_16, %ne3A : vector<128x8xi32>
    %rem3A = vector.broadcast %jit3A : i32 to vector<128x8xi32>
    %rem3A_25 = arith.remsi %iota3A, %rem3A : vector<128x8xi32>
    %ne3A_26 = arith.constant 0 : i32
    %ne3A_27 = vector.broadcast %ne3A_26 : i32 to vector<128x8xi32>
    %ne3A_28 = arith.cmpi ne, %rem3A_25, %ne3A_27 : vector<128x8xi32>
    %and3A = arith.andi %ne3A_24, %ne3A_28 : vector<128x8xi1>
    %sub3A = arith.constant 1 : i32
    %sub3A_29 = vector.broadcast %sub3A : i32 to vector<128x8xi32>
    %sub3A_30 = arith.subi %div3A_8, %sub3A_29 : vector<128x8xi32>
    %select_n3A = arith.select %and3A, %sub3A_30, %div3A_8 : vector<128x8xi1>, vector<128x8xi32>
    %eq3A = arith.cmpi eq, %select_n3A, %iota3A_7 : vector<128x8xi32>
    %convert_element_type3A = arith.extui %eq3A : vector<128x8xi1> to vector<128x8xi32>
    %convert_element_type3A_31 = arith.sitofp %convert_element_type3A : vector<128x8xi32> to vector<128x8xf32>
    %add3A = arith.addf %squeeze3A, %squeeze3A_6 : vector<128x128xf32>
    %dot_general3A = arith.constant dense<0.000000e+00> : vector<128x8xf32>
    %dot_general3A_32 = tpu.matmul %add3A, %convert_element_type3A_31, %dot_general3A {dimension_numbers = #tpu.dot_dimension_numbers<[1], [0], [0], [1], [0, 0, 1, 1], [], []>, transpose_lhs_hint = false} : vector<128x128xf32>, vector<128x8xf32>, vector<128x8xf32> -> vector<128x8xf32>
    %dot_general3A_33 = arith.constant dense<0.000000e+00> : vector<128x8xf32>
    %dot_general3A_34 = tpu.matmul %squeeze3A_6, %convert_element_type3A_31, %dot_general3A_33 {dimension_numbers = #tpu.dot_dimension_numbers<[1], [0], [0], [1], [0, 0, 1, 1], [], []>, transpose_lhs_hint = false} : vector<128x128xf32>, vector<128x8xf32>, vector<128x8xf32> -> vector<128x8xf32>
    %reduce_sum3A_35 = vector.shape_cast %dot_general3A_34 : vector<128x8xf32> to vector<1x128x8xf32>
    %reduce_sum3A_36 = arith.constant dense<0.000000e+00> : vector<1xf32>
    %reduce_sum3A_37 = vector.multi_reduction <add>, %reduce_sum3A_35, %reduce_sum3A_36 [1, 2] : vector<1x128x8xf32> to vector<1xf32>
    %reduce_sum3A_38 = vector.shape_cast %reduce_sum3A_37 : vector<1xf32> to vector<1x1x1xf32>
    %reduce_sum3A_39 = vector.extract %reduce_sum3A_38[0, 0, 0] : f32 from vector<1x1x1xf32>
    %iota3A_40 = tpu.iota {dimensions = array<i32: 0>} : vector<8x8xi32>
    %iota3A_41 = tpu.iota {dimensions = array<i32: 1>} : vector<8x8xi32>
    %ge3A = arith.cmpi sge, %iota3A_40, %iota3A_41 : vector<8x8xi32>
    %convert_element_type3A_42 = arith.extui %ge3A : vector<8x8xi1> to vector<8x8xi32>
    %convert_element_type3A_43 = arith.sitofp %convert_element_type3A_42 : vector<8x8xi32> to vector<8x8xf32>
    %dot_general3A_44 = arith.constant dense<0.000000e+00> : vector<128x8xf32>
    %dot_general3A_45 = tpu.matmul %dot_general3A_32, %convert_element_type3A_43, %dot_general3A_44 {dimension_numbers = #tpu.dot_dimension_numbers<[1], [0], [0], [1], [0, 0, 1, 1], [], []>, transpose_lhs_hint = false} : vector<128x8xf32>, vector<8x8xf32>, vector<128x8xf32> -> vector<128x8xf32>
    %dot_general3A_46 = arith.constant dense<0.000000e+00> : vector<128x8xf32>
    %dot_general3A_47 = tpu.matmul %dot_general3A_34, %convert_element_type3A_43, %dot_general3A_46 {dimension_numbers = #tpu.dot_dimension_numbers<[1], [0], [0], [1], [0, 0, 1, 1], [], []>, transpose_lhs_hint = false} : vector<128x8xf32>, vector<8x8xf32>, vector<128x8xf32> -> vector<128x8xf32>
    %reduce_sum3A_48 = arith.constant dense<0.000000e+00> : vector<128xf32>
    %reduce_sum3A_49 = vector.multi_reduction <add>, %dot_general3A_32, %reduce_sum3A_48 [1] : vector<128x8xf32> to vector<128xf32>
    %broadcast_in_dim3A = vector.shape_cast %reduce_sum3A_49 : vector<128xf32> to vector<128x1xf32>
    %reduce_sum3A_50 = arith.constant dense<0.000000e+00> : vector<128xf32>
    %reduce_sum3A_51 = vector.multi_reduction <add>, %dot_general3A_34, %reduce_sum3A_50 [1] : vector<128x8xf32> to vector<128xf32>
    %broadcast_in_dim3A_52 = vector.shape_cast %reduce_sum3A_51 : vector<128xf32> to vector<128x1xf32>
    %iota3A_53 = tpu.iota {dimensions = array<i32: 0>} : vector<128x128xi32>
    %iota3A_54 = tpu.iota {dimensions = array<i32: 1>} : vector<128x128xi32>
    %gt3A = arith.cmpi sgt, %iota3A_54, %iota3A_53 : vector<128x128xi32>
    %convert_element_type3A_55 = arith.extui %gt3A : vector<128x128xi1> to vector<128x128xi32>
    %convert_element_type3A_56 = arith.sitofp %convert_element_type3A_55 : vector<128x128xi32> to vector<128x128xf32>
    %dot_general3A_57 = arith.constant dense<0.000000e+00> : vector<128x1xf32>
    %dot_general3A_58 = tpu.matmul %convert_element_type3A_56, %broadcast_in_dim3A, %dot_general3A_57 {dimension_numbers = #tpu.dot_dimension_numbers<[1], [0], [0], [1], [0, 0, 1, 1], [], []>, transpose_lhs_hint = false} : vector<128x128xf32>, vector<128x1xf32>, vector<128x1xf32> -> vector<128x1xf32>
    %dot_general3A_59 = arith.constant dense<0.000000e+00> : vector<128x1xf32>
    %dot_general3A_60 = tpu.matmul %convert_element_type3A_56, %broadcast_in_dim3A_52, %dot_general3A_59 {dimension_numbers = #tpu.dot_dimension_numbers<[1], [0], [0], [1], [0, 0, 1, 1], [], []>, transpose_lhs_hint = false} : vector<128x128xf32>, vector<128x1xf32>, vector<128x1xf32> -> vector<128x1xf32>
    %add3A_61 = vector.broadcast %dot_general3A_58 : vector<128x1xf32> to vector<128x8xf32>
    %add3A_62 = arith.addf %dot_general3A_45, %add3A_61 : vector<128x8xf32>
    %add3A_63 = vector.broadcast %dot_general3A_60 : vector<128x1xf32> to vector<128x8xf32>
    %add3A_64 = arith.addf %dot_general3A_47, %add3A_63 : vector<128x8xf32>
    %sub3A_65 = arith.subf %add3A_62, %add3A_64 : vector<128x8xf32>
    %add3A_66 = vector.broadcast %reduce_sum3A_39 : f32 to vector<128x8xf32>
    %add3A_67 = arith.addf %add3A_66, %sub3A_65 : vector<128x8xf32>
    %max3A = arith.constant 1.000000e+00 : f32
    %max3A_68 = vector.broadcast %max3A : f32 to vector<128x8xf32>
    %max3A_69 = arith.maximumf %add3A_67, %max3A_68 : vector<128x8xf32>
    %div3A_70 = arith.divf %add3A_62, %max3A_69 : vector<128x8xf32>
    %iota3A_71 = tpu.iota {dimensions = array<i32: 0>} : vector<128x8xi32>
    %ge3A_72 = arith.constant 64 : i32
    %ge3A_73 = vector.broadcast %ge3A_72 : i32 to vector<128x8xi32>
    %ge3A_74 = arith.cmpi sge, %iota3A_71, %ge3A_73 : vector<128x8xi32>
    %convert_element_type3A_75 = arith.extui %ge3A_74 : vector<128x8xi1> to vector<128x8xi32>
    %convert_element_type3A_76 = arith.sitofp %convert_element_type3A_75 : vector<128x8xi32> to vector<128x8xf32>
    %mul3A = arith.mulf %dot_general3A_32, %convert_element_type3A_76 : vector<128x8xf32>
    %reduce_sum3A_77 = vector.shape_cast %mul3A : vector<128x8xf32> to vector<1x128x8xf32>
    %reduce_sum3A_78 = arith.constant dense<0.000000e+00> : vector<1xf32>
    %reduce_sum3A_79 = vector.multi_reduction <add>, %reduce_sum3A_77, %reduce_sum3A_78 [1, 2] : vector<1x128x8xf32> to vector<1xf32>
    %reduce_sum3A_80 = vector.shape_cast %reduce_sum3A_79 : vector<1xf32> to vector<1x1x1xf32>
    %reduce_sum3A_81 = vector.extract %reduce_sum3A_80[0, 0, 0] : f32 from vector<1x1x1xf32>
    %mul3A_82 = arith.mulf %dot_general3A_34, %convert_element_type3A_76 : vector<128x8xf32>
    %reduce_sum3A_83 = vector.shape_cast %mul3A_82 : vector<128x8xf32> to vector<1x128x8xf32>
    %reduce_sum3A_84 = arith.constant dense<0.000000e+00> : vector<1xf32>
    %reduce_sum3A_85 = vector.multi_reduction <add>, %reduce_sum3A_83, %reduce_sum3A_84 [1, 2] : vector<1x128x8xf32> to vector<1xf32>
    %reduce_sum3A_86 = vector.shape_cast %reduce_sum3A_85 : vector<1xf32> to vector<1x1x1xf32>
    %reduce_sum3A_87 = vector.extract %reduce_sum3A_86[0, 0, 0] : f32 from vector<1x1x1xf32>
    %sub3A_88 = arith.subf %reduce_sum3A_81, %reduce_sum3A_87 : f32
    %add3A_89 = arith.addf %reduce_sum3A_39, %sub3A_88 : f32
    %max3A_90 = arith.constant 1.000000e+00 : f32
    %max3A_91 = arith.maximumf %add3A_89, %max3A_90 : f32
    %div3A_92 = arith.divf %reduce_sum3A_81, %max3A_91 : f32
    %mul3A_93 = arith.mulf %div3A_70, %convert_element_type3A_76 : vector<128x8xf32>
    %reduce_sum3A_94 = vector.shape_cast %mul3A_93 : vector<128x8xf32> to vector<1x128x8xf32>
    %reduce_sum3A_95 = arith.constant dense<0.000000e+00> : vector<1xf32>
    %reduce_sum3A_96 = vector.multi_reduction <add>, %reduce_sum3A_94, %reduce_sum3A_95 [1, 2] : vector<1x128x8xf32> to vector<1xf32>
    %reduce_sum3A_97 = vector.shape_cast %reduce_sum3A_96 : vector<1xf32> to vector<1x1x1xf32>
    %reduce_sum3A_98 = vector.extract %reduce_sum3A_97[0, 0, 0] : f32 from vector<1x1x1xf32>
    %mul3A_99 = arith.constant 5.000000e-01 : f32
    %mul3A_100 = arith.mulf %mul3A_99, %div3A_92 : f32
    %sub3A_101 = arith.subf %reduce_sum3A_98, %mul3A_100 : f32
    %mul3A_102 = arith.constant 3.125000e-02 : f32
    %mul3A_103 = arith.mulf %mul3A_102, %sub3A_101 : f32
    %broadcast_in_dim3A_104 = vector.broadcast %mul3A_103 : f32 to vector<1x1xf32>
    %swap3A = arith.constant 0 : index
    %swap3A_105 = arith.constant 0 : index
    %swap3A_106 = vector.load %arg1[%swap3A, %swap3A_105] : memref<1x1xf32, #tpu.memory_space<vmem>>, vector<1x1xf32>
    tpu.vector_store %arg1[%swap3A, %swap3A_105], %broadcast_in_dim3A_104 {strides = array<i32>} : memref<1x1xf32, #tpu.memory_space<vmem>>, vector<1x1xf32>,
    return
  }
}

module attributes {stable_mosaic.version = 14 : i64} {
  func.func @_prep_body(%arg0: i32, %arg1: memref<1x512x512xf32, #tpu.memory_space<vmem>>, %arg2: memref<1x512x512xf32, #tpu.memory_space<vmem>>, %arg3: memref<1024x128xi32, #tpu.memory_space<vmem>>) attributes {dimension_semantics = [#tpu.dimension_semantics<arbitrary>], iteration_bounds = array<i64: 16>, scalar_prefetch = 0 : i64, scratch_operands = 0 : i64, tpu.core_type = #tpu.core_type<tc>, window_params = [{transform_indices = @transform_0, window_bounds = array<i64: 1, 512, 512>}, {transform_indices = @transform_1, window_bounds = array<i64: 1, 512, 512>}, {transform_indices = @transform_2, window_bounds = array<i64: 1024, 128>}]} {
    %get3A = arith.constant 0 : index
    %get3A_0 = arith.constant 0 : index
    %get3A_1 = arith.constant 0 : index
    %get3A_2 = vector.load %arg1[%get3A, %get3A_0, %get3A_1] : memref<1x512x512xf32, #tpu.memory_space<vmem>>, vector<1x512x512xf32>
    %get3A_3 = vector.shape_cast %get3A_2 : vector<1x512x512xf32> to vector<512x512xf32>
    %get3A_4 = arith.constant 0 : index
    %get3A_5 = arith.constant 0 : index
    %get3A_6 = arith.constant 0 : index
    %get3A_7 = vector.load %arg2[%get3A_4, %get3A_5, %get3A_6] : memref<1x512x512xf32, #tpu.memory_space<vmem>>, vector<1x512x512xf32>
    %get3A_8 = vector.shape_cast %get3A_7 : vector<1x512x512xf32> to vector<512x512xf32>
    %mul3A = arith.constant 2.000000e+00 : f32
    %mul3A_9 = vector.broadcast %mul3A : f32 to vector<512x512xf32>
    %mul3A_10 = arith.mulf %mul3A_9, %get3A_8 : vector<512x512xf32>
    %sub3A = arith.constant 1.000000e+00 : f32
    %sub3A_11 = vector.broadcast %sub3A : f32 to vector<512x512xf32>
    %sub3A_12 = arith.subf %mul3A_10, %sub3A_11 : vector<512x512xf32>
    %mul3A_13 = arith.mulf %get3A_3, %sub3A_12 : vector<512x512xf32>
    %mul3A_14 = arith.constant 3.200000e+01 : f32
    %mul3A_15 = vector.broadcast %mul3A_14 : f32 to vector<512x512xf32>
    %mul3A_16 = arith.mulf %mul3A_15, %mul3A_13 : vector<512x512xf32>
    %sub3A_17 = arith.constant 5.440000e+02 : f32
    %sub3A_18 = vector.broadcast %sub3A_17 : f32 to vector<512x512xf32>
    %sub3A_19 = arith.subf %sub3A_18, %mul3A_16 : vector<512x512xf32>
    %max3A = arith.constant 0.000000e+00 : f32
    %max3A_20 = vector.broadcast %max3A : f32 to vector<512x512xf32>
    %max3A_21 = arith.maximumf %sub3A_19, %max3A_20 : vector<512x512xf32>
    %min3A = arith.constant 1.023000e+03 : f32
    %min3A_22 = vector.broadcast %min3A : f32 to vector<512x512xf32>
    %min3A_23 = arith.minimumf %max3A_21, %min3A_22 : vector<512x512xf32>
    %mul3A_24 = arith.constant 1.024000e+03 : f32
    %mul3A_25 = vector.broadcast %mul3A_24 : f32 to vector<512x512xf32>
    %mul3A_26 = arith.mulf %get3A_8, %mul3A_25 : vector<512x512xf32>
    %add3A = arith.addf %min3A_23, %mul3A_26 : vector<512x512xf32>
    %iota3A = tpu.iota {dimensions = array<i32: 1>} : vector<512x512xi32>
    %and3A = arith.constant 15 : i32
    %and3A_27 = vector.broadcast %and3A : i32 to vector<512x512xi32>
    %and3A_28 = arith.andi %iota3A, %and3A_27 : vector<512x512xi32>
    %convert_element_type3A = arith.fptosi %add3A : vector<512x512xf32> to vector<512x512xi32>
    %mul3A_29 = arith.constant 16 : i32
    %mul3A_30 = vector.broadcast %mul3A_29 : i32 to vector<512x512xi32>
    %mul3A_31 = arith.muli %convert_element_type3A, %mul3A_30 : vector<512x512xi32>
    %add3A_32 = arith.addi %mul3A_31, %and3A_28 : vector<512x512xi32>
    %slice3A = vector.extract_strided_slice %add3A_32 {offsets = [0, 0], sizes = [512, 128], strides = [1, 1]} : vector<512x512xi32> to vector<512x128xi32>
    %slice3A_33 = vector.extract_strided_slice %add3A_32 {offsets = [0, 128], sizes = [512, 128], strides = [1, 1]} : vector<512x512xi32> to vector<512x128xi32>
    %shift_left3A = arith.constant 16 : i32
    %shift_left3A_34 = vector.broadcast %shift_left3A : i32 to vector<512x128xi32>
    %shift_left3A_35 = arith.shli %slice3A_33, %shift_left3A_34 : vector<512x128xi32>
    %or3A = arith.ori %slice3A, %shift_left3A_35 : vector<512x128xi32>
    %slice3A_36 = vector.extract_strided_slice %add3A_32 {offsets = [0, 256], sizes = [512, 128], strides = [1, 1]} : vector<512x512xi32> to vector<512x128xi32>
    %slice3A_37 = vector.extract_strided_slice %add3A_32 {offsets = [0, 384], sizes = [512, 128], strides = [1, 1]} : vector<512x512xi32> to vector<512x128xi32>
    %shift_left3A_38 = arith.constant 16 : i32
    %shift_left3A_39 = vector.broadcast %shift_left3A_38 : i32 to vector<512x128xi32>
    %shift_left3A_40 = arith.shli %slice3A_37, %shift_left3A_39 : vector<512x128xi32>
    %or3A_41 = arith.ori %slice3A_36, %shift_left3A_40 : vector<512x128xi32>
    %swap3A = arith.constant 0 : index
    %swap3A_42 = arith.constant 0 : index
    %swap3A_43 = vector.load %arg3[%swap3A, %swap3A_42] : memref<1024x128xi32, #tpu.memory_space<vmem>>, vector<512x128xi32>
    tpu.vector_store %arg3[%swap3A, %swap3A_42], %or3A {strides = array<i32>} : memref<1024x128xi32, #tpu.memory_space<vmem>>, vector<512x128xi32>,
    %swap3A_44 = arith.constant 512 : index
    %swap3A_45 = arith.constant 0 : index
    %swap3A_46 = vector.load %arg3[%swap3A_44, %swap3A_45] : memref<1024x128xi32, #tpu.memory_space<vmem>>, vector<512x128xi32>
    tpu.vector_store %arg3[%swap3A_44, %swap3A_45], %or3A_41 {strides = array<i32>} : memref<1024x128xi32, #tpu.memory_space<vmem>>, vector<512x128xi32>,
    return
  }
  func.func @transform_0(%arg0: i32) -> (i32, i32, i32) {
    %c0_i32 = arith.constant 0 : i32
    %c0_i32_0 = arith.constant 0 : i32
    %c0_i32_1 = arith.constant 0 : i32
    return %arg0, %c0_i32, %c0_i32_0 : i32, i32, i32
  }
  func.func @transform_1(%arg0: i32) -> (i32, i32, i32) {
    %c0_i32 = arith.constant 0 : i32
    %c0_i32_0 = arith.constant 0 : i32
    %c0_i32_1 = arith.constant 0 : i32
    return %arg0, %c0_i32, %c0_i32_0 : i32, i32, i32
  }
  func.func @transform_2(%arg0: i32) -> (i32, i32) {
    %c0_i32 = arith.constant 0 : i32
    %c0_i32_0 = arith.constant 0 : i32
    return %arg0, %c0_i32 : i32, i32
  }
}

</mosaic_0001>

<sc_bundles>
// kernel: kernel.5.cloned.1.call-start
scs
__scs_entry_jumppad:
0x0: {  	(pc) =	sbr.rel $0x88, $3  }
0x1: {  	(tag) =	ssettag $0x0;
	lr =	simm.s32 $0x1  }
0x2: {  	[smem:$0x3F9F] =	sst lr;
	_ =	strace $0xD0000000  }
0x3: {  	_ = 	snop  }
0x4: {  	_ = 	snop  }
0x5: {  	_ = 	snop  }
0x6: {  	_ = 	snop  }
0x7: {  	_ = 	snop  }
__scs_overlays_trampoline_lowered:
0x8: {  	[smem:$0x3FAE] =	sst s0  }
0x9: {  	[smem:$0x3FAF] =	sst s1  }
0xa: {  	[smem:$0x3FB0] =	sst s2  }
0xb: {  	[smem:$0x3FB1] =	sst s3  }
0xc: {  	[smem:$0x3FB2] =	sst s4  }
0xd: {  	[smem:$0x3FB3] =	sst s5  }
0xe: {  	[smem:$0x3FB4] =	sst s6  }
0xf: {  	[smem:$0x3FB5] =	sst s7  }
0x10: {  	[smem:$0x3FB6] =	sst s8  }
0x11: {  	[smem:$0x3FB7] =	sst s9;
	s0 =	simm.s32 @!p0 $0x0  }
0x12: {  	s1 =	sld [smem:$0x3F9D];
	s0 =	simm.s32 @p0 $0x1  }
0x13: {  	[smem:$0x3FB8] =	sst s0;
	s0 =	simm.s32 @!p1 $0x0  }
0x14: {  	s2 =	sld [smem:$0x3F9C];
	s0 =	simm.s32 @p1 $0x1  }
0x15: {  	[smem:$0x3FB9] =	sst s0;
	s0 =	simm.s32 @!p2 $0x0  }
0x16: {  	s3 =	sld [smem:$0x3FDB];
	s0 =	simm.s32 @p2 $0x1  }
0x17: {  	s4 =	simm.s32 $0x1BF5;
	[smem:$0x3FBB] =	sst s0  }
0x18: {  	s0 =	sld [smem:$0x3F9E];
	_ =	swait.ge [sflag:s4], $0x0  }
0x19: {  	s7 =	sld [smem:$0x3F9F]  }
0x1a: {  	s8 =	sadd.s32 $0xFFFFE003, lr  }
0x1b: {  	s9 =	sadd.s32 $0xFFFFFEF7, lr;
	s5 =	simm.s32 $0xFFFFFFFF;
	p2 =	slt.u32 s8, $0xFFFFF086  }
0x1c: {  	p1 =	slt.u32 s9, $0xF7A;
	s5 =	simm.s32 @!p2 $0x0  }
0x1d: {  	s5 =	simm.s32 @p1 $0x1;
	p0 =	seq.s32 s7, s2  }
0x1e: {  	s7 =	smul.u32 @!p0 $0xF7A, s2;
	p2 =	seq.s32 @!p0 s5, $0x0  }
0x1f: {  	s9 =	smul.u32 $0xF7A, s1;
	s8 =	simm.s32 @!p0 $0x1BF5;
	p2 =	por !p2, p0  }
0x20: {  	[sflag:s8] =	ssyncset.s32 @!p0 $0xFFFFF086;
	s6 =	sadd.s32 @!p0 s3, s7;
	s7 =	simm.s32 @!p0 $0x108  }
0x21: {  	s3 =	sadd.s32 s3, s9;
	s6 =	sadd.s32 @!p0 $0x88, s6;
	s7 =	simm.s32 @p2 $0x1082  }
0x22: {  	[simem:s7], [sflag:s8] =	dma.local @!p0 [hbm:s6], $0xF7A  }
0x23: {  	s9 =	sor.u32 $0xD0000000, s2;
	s6 =	simm.s32 $0x108;
	_ =	swait.ge @!p0 [sflag:s8], $0x0  }
0x24: {  	s3 =	sadd.s32 $0x88, s3;
	s6 =	simm.s32 @!p1 $0x1082;
	[sflag:s4] =	ssyncset.s32 $0xFFFFF086  }
0x25: {  	[simem:s6], [sflag:s4] =	dma.local [hbm:s3], $0xF7A  }
0x26: {  	[smem:$0x3F9F] =	sst s1;
	(tag) =	ssettag s2;
	_ =	strace s9  }
0x27: {  	s1 =	sld [smem:$0x3FAF]  }
0x28: {  	s2 =	sld [smem:$0x3FB0]  }
0x29: {  	s4 =	sld [smem:$0x3FB2]  }
0x2a: {  	p0 =	seq.s32 s5, $0x0;
	s5 =	sld [smem:$0x3FB3]  }
0x2b: {  	s6 =	sld [smem:$0x3FB4]  }
0x2c: {  	s7 =	sld [smem:$0x3FB5]  }
0x2d: {  	s3 =	simm.s32 $0x108;
	s8 =	sld [smem:$0x3FB6]  }
0x2e: {  	s3 =	simm.s32 @!p0 $0x1082;
	s9 =	sld [smem:$0x3FB7]  }
0x2f: {  	lr =	sadd.s32 s0, s3;
	s0 =	sld [smem:$0x3FAE]  }
0x30: {  	s3 =	sld [smem:$0x3FB1]  }
0x31: {  	[smem:$0x3FBA] =	sst s10  }
0x32: {  	s10 =	sld [smem:$0x3FB8];
	_ =	sdelay $0x3  }
0x33: {  	p0 =	seq.s32 s10, $0x1;
	s10 =	sld [smem:$0x3FBA];
	_ =	sdelay $0x3  }
0x34: {  	[smem:$0x3FBA] =	sst s10  }
0x35: {  	s10 =	sld [smem:$0x3FB9];
	_ =	sdelay $0x3  }
0x36: {  	p1 =	seq.s32 s10, $0x1;
	s10 =	sld [smem:$0x3FBA];
	_ =	sdelay $0x3  }
0x37: {  	[smem:$0x3FBA] =	sst s10  }
0x38: {  	s10 =	sld [smem:$0x3FBB]  }
0x39: {  	_ = 	snop;
	(pc) =	sbr.ind lr, $3  }
0x3a: {  	_ = 	snop  }
0x3b: {  	_ = 	snop  }
0x3c: {  	p2 =	seq.s32 s10, $0x1;
	s10 =	sld [smem:$0x3FBA]  }
0x3d: {  	_ =	shalt  }
0x3e: {  	_ =	shalt  }
0x3f: {  	_ =	shalt  }
0x40: {  	_ =	shalt  }
0x41: {  	_ =	shalt  }
0x42: {  	_ =	shalt  }
0x43: {  	_ =	shalt  }
0x44: {  	_ =	shalt  }
0x45: {  	_ =	shalt  }
0x46: {  	_ =	shalt  }
0x47: {  	_ =	shalt  }
0x48: {  	_ =	shalt  }
0x49: {  	_ =	shalt  }
0x4a: {  	_ =	shalt  }
0x4b: {  	_ =	shalt  }
0x4c: {  	_ =	shalt  }
0x4d: {  	_ =	shalt  }
0x4e: {  	_ =	shalt  }
0x4f: {  	_ =	shalt  }
0x50: {  	_ =	shalt  }
0x51: {  	_ =	shalt  }
0x52: {  	_ =	shalt  }
0x53: {  	_ =	shalt  }
0x54: {  	_ =	shalt  }
0x55: {  	_ =	shalt  }
0x56: {  	_ =	shalt  }
0x57: {  	_ =	shalt  }
0x58: {  	_ =	shalt  }
0x59: {  	_ =	shalt  }
0x5a: {  	_ =	shalt  }
0x5b: {  	_ =	shalt  }
0x5c: {  	_ =	shalt  }
0x5d: {  	_ =	shalt  }
0x5e: {  	_ =	shalt  }
0x5f: {  	_ =	shalt  }
0x60: {  	_ =	shalt  }
0x61: {  	_ =	shalt  }
0x62: {  	_ =	shalt  }
0x63: {  	_ =	shalt  }
0x64: {  	_ =	shalt  }
0x65: {  	_ =	shalt  }
0x66: {  	_ =	shalt  }
0x67: {  	_ =	shalt  }
0x68: {  	_ =	shalt  }
0x69: {  	_ =	shalt  }
0x6a: {  	_ =	shalt  }
0x6b: {  	_ =	shalt  }
0x6c: {  	_ =	shalt  }
0x6d: {  	_ =	shalt  }
0x6e: {  	_ =	shalt  }
0x6f: {  	_ =	shalt  }
0x70: {  	_ =	shalt  }
0x71: {  	_ =	shalt  }
0x72: {  	_ =	shalt  }
0x73: {  	_ =	shalt  }
0x74: {  	_ =	shalt  }
0x75: {  	_ =	shalt  }
0x76: {  	_ =	shalt  }
0x77: {  	_ =	shalt  }
0x78: {  	_ =	shalt  }
0x79: {  	_ =	shalt  }
0x7a: {  	_ =	shalt  }
0x7b: {  	_ =	shalt  }
0x7c: {  	_ =	shalt  }
0x7d: {  	_ =	shalt  }
0x7e: {  	_ =	shalt  }
0x7f: {  	_ =	shalt  }
0x80: {  	_ =	shalt  }
0x81: {  	_ =	shalt  }
0x82: {  	_ =	shalt  }
0x83: {  	_ =	shalt  }
0x84: {  	_ =	shalt  }
0x85: {  	_ =	shalt  }
0x86: {  	_ =	shalt  }
0x87: {  	_ =	shalt  }
.Lfunc_end0:
.L_simem_size_0:
called_computation_lowered:
.L_overlay_start_0:
0x88: {  	s2 =	sld [smem:$0x3FD9]  }
0x89: {  	s3 =	sld [smem:$0x3FFE];
	_ =	sdelay $0x1  }
0x8a: {  	s1 =	srdreg.scid  }
0x8b: {  	s0 =	sand.u32 $0x1, s1  }
0x8c: {  	s16 =	sshll.u32 s0, $0xA;
	s2 =	sadd.s32 s3, s2  }
0x8d: {  	s2 =	sadd.s32 s2, s16  }
0x8e: {  	[smem:$0x3FC6] =	sst s2  }
0x8f: {  	_ = 	snop  }
0x90: {  	(tm) =	ssettm $0x1  }
0x91: {  	s17 =	sld [smem:$0x3FFB];
	_ =	sdelay $0x3  }
0x92: {  	_ =	strace s17  }
0x93: {  	s2 =	sld [smem:$0x3FFC];
	_ =	sdelay $0x3  }
0x94: {  	_ =	strace s2  }
0x95: {  	s2 =	sld [smem:$0x3FFD];
	_ =	sdelay $0x3  }
0x96: {  	_ =	strace s2  }
0x97: {  	_ =	strace $0x8FFFFFFF  }
0x98: {  	s18 =	sld [smem:$0x3FDB];
	_ =	sdelay $0x1  }
0x99: {  	s19 =	simm.s32 $_scs_section_size  }
0x9a: {  	s4 =	simm.s32 $_size__tile_overlayer_lowered;
	s5 =	simm.s32 $_tile_overlayer_lowered  }
0x9b: {  	s22 =	simm.s32 $0x1BFF;
	s21 =	sshll.u32 s5, $0x1;
	s2 =	sadd.s32 s19, s18  }
0x9c: {  	s6 =	simm.s32 $0x0;
	s20 =	sshll.u32 s4, $0x1;
	s4 =	sadd.s32 s21, s2  }
0x9d: {  	[timem:s6], [sflag:s22] =	dma.local [hbm:s4], s20  }
0x9e: {  	_ =	swait.ge [sflag:s22], s20  }
0x9f: {  	s3 =	ssub.s32 $0x0, s20;
	[sflag:s22] =	ssyncset.done $0x0  }
0xa0: {  	[sflag:s22] =	ssyncadd.s32 s3;
	_ =	sdelay $0x1  }
0xa1: {  	s23 =	simm.s32 $0x1B8B  }
0xa2: {  	_ =	swait.ge [sflag:s23], $0x1  }
0xa3: {  	[sflag:s23] =	ssyncset.done $0x0  }
0xa4: {  	s25 =	simm.s32 $0x1B8E;
	s24 =	sld [smem:$0x3FFE];
	[sflag:s23] =	ssyncadd.s32 $0xFFFFFFFF  }
0xa5: {  	s26 =	simm.s32 $execute0_lowered;
	[smem:$0x3FD2] =	sst s25  }
0xa6: {  	s4 =	sshll.u32 s26, $0x1;
	_ =	strace $0x80000046;
	[dreg:$0x1] =	wrdreg $0xFFFFFFFF  }
0xa7: {  	s28 =	simm.s32 $_size_execute0_lowered;
	s2 =	sadd.s32 s2, s4;
	[dreg:$0x0] =	wrdreg $0x0  }
0xa8: {  	s4 =	sshll.u32 s28, $0x1;
	[dreg:$0x2] =	wrdreg s2  }
0xa9: {  	[dreg:$0x3] =	wrdreg s4  }
0xaa: {  	[dreg:$0x4] =	wrdreg $0xC0  }
0xab: {  	_ =	task [dreg:s6], $0x5FFFF  }
0xac: {  	[dreg:$0x1] =	wrdreg $0xFFFFFFFF  }
0xad: {  	[dreg:$0x0] =	wrdreg $0x60  }
0xae: {  	[dreg:$0x2] =	wrdreg s24  }
0xaf: {  	[dreg:$0x3] =	wrdreg $0x9  }
0xb0: {  	_ =	task.clear_ibuf [dreg:s6], $0x4FFFF;
	_ =	strace $0x90000046  }
0xb1: {  	s29 =	simm.s32 $0x9;
	_ =	strace $0x8000004C  }
0xb2: {  	_ =	swait.ge [sflag:s29], $0x1  }
0xb3: {  	[sflag:s29] =	ssyncadd.s32 $0xFFFFFFFF  }
0xb4: {  	_ =	strace $0x9000004C  }
0xb5: {  	_ =	sfence  }
0xb6: {  	s30 =	sld [smem:$0x0];
	_ =	sdelay $0x2  }
0xb7: {  	s31 =	sshll.u32 s1, $0xD;
	s1 =	sshrl.u32 s1, $0x2  }
0xb8: {  	s3 =	sand.u32 $0x4000, s31;
	s1 =	sadd.s32 s1, s30  }
0xb9: {  	s0 =	sor.u32 s3, s0;
	s1 =	sshll.u32 s1, $0x11  }
0xba: {  	s0 =	sor.u32 s1, s0  }
0xbb: {  	s0 =	sadd.s32 $0x8F2B, s0  }
0xbc: {  	[sflag:s0] =	ssyncadd.remote.s32 $0x1  }
0xbd: {  	_ =	sfence.sel $0xFFFF  }
0xbe: {  	[dreg:$0x0] =	wrdreg $0xFFFFFFFF;
	(pc) =	sbr.abs _section_cstart, $3  }
0xbf: {  	[dreg:$0x1] =	wrdreg $0xFFFFFFFF  }
0xc0: {  	_ =	task.clear_ibuf [dreg:s6], $0x2FFFF;
	_ =	strace $0x9FFFFFFF  }
0xc1: {  	(tm) =	ssettm $0x7FFFFFFF  }
tec
execute0_lowered:
.L_overlay_start_1:
0x0: {  	(tag) =	ssettag $0x1  }
0x1: {  	s2 =	rddreg [dreg:$0x0]  }
0x2: {  	s0 =	rddreg [dreg:$0x1];
	s1 =	simm.s32 $0x0  }
0x3: {  	s3 =	srdreg.scid;
	s9 =	simm.s32 $0x1;
	s10 =	simm.s32 $0x0  }
0x4: {  	[smem:$0x7FF] =	sst s1;
	s4 =	sand.u32 $0x1, s3;
	s3 =	sadd.s32 $0x800, s2  }
0x5: {  	_ =	strace $0x80000047;
	s5 =	sshll.u32 s4, $0xC;
	s6 =	ssub.s32 $0x2, s4  }
0x6: {  	s5 =	sadd.s32 s5, s2;
	s2 =	stileid.u32;
	s7 =	sshrl.u32 s6, $0x1  }
0x7: {  	s4 =	sshll.u32 s4, $0x11;
	s8 =	sshll.u32 s2, $0xD;
	s7 =	ssub.s32 s6, s7  }
0x8: {  	s4 =	sor.u32 s8, s4;
	s31 =	sadd.s32 s8, s5;
	s7 =	smax.u32 s7, $0x1  }
0x9: {  	v0 =	vimm.f32 $0.0e+00;
	v1 =	vimm.f32 $1.000000000e+00;
	s8 =	simm.s32 $0x8000;
	s5 =	sadd.s32 s3, s4;
	s6 =	sadd.s32 $0x40800, s31  }
.LBB2_1:
0xa: {  	s11 =	simm.s32 $0x40  }
0xb: {  	[tilespmem:s11+$0xFFFFFFC0] =	vst v0  }
0xc: {  	[tilespmem:s11+$0x30] =	vst v0  }
0xd: {  	[tilespmem:s11+$0x20] =	vst v0  }
0xe: {  	[tilespmem:s11+$0x10] =	vst v0  }
0xf: {  	[tilespmem:s11+$0x0] =	vst v0  }
0x10: {  	[tilespmem:s11+$0xFFFFFFF0] =	vst v0  }
0x11: {  	s12 =	simm.s32 $0x0;
	[tilespmem:s11+$0xFFFFFFE0] =	vst v0  }
.LBB2_2:
0x12: {  	s12 =	sadd.s32 $0x8, s12;
	[tilespmem:s11+$0xFFFFFFD0] =	vst v0;
	s11 =	sadd.s32 $0x80, s11  }
0x13: {  	[tilespmem:s11+$0xFFFFFFC0] =	vst v0;
	p0 =	slt.u32 s12, $0x7F8  }
0x14: {  	[tilespmem:s11+$0x30] =	vst v0  }
.Ltmp0:
0x15: {  	[tilespmem:s11+$0x20] =	vst v0;
	(pc) =	sbr.rel @p0 .LBB2_2-.Ltmp0, $4  }
0x16: {  	[tilespmem:s11+$0x10] =	vst v0  }
0x17: {  	[tilespmem:s11+$0x0] =	vst v0  }
0x18: {  	[tilespmem:s11+$0xFFFFFFF0] =	vst v0  }
0x19: {  	[tilespmem:s11+$0xFFFFFFE0] =	vst v0  }
0x1a: {  	[tilespmem:s11+$0xFFFFFFD0] =	vst v0  }
0x1b: {  	s11 =	simm.s32 $0x0;
	s12 =	simm.s32 $0x1;
	_ =	strace $0x80000048  }
0x1c: {  	[tilespmem:s8], [sflag:$0x1] =	stream.linear.gather [hbm4b:s5+s11], $0x4000, $0x200038;
	[tilespmem:$0x10000] =	vst v63  }
0x1d: {  	s13 =	simm.s32 $0x0;
	s14 =	simm.s32 $0x0;
	_ =	strace $0x90000048  }
.LBB2_4:
0x1e: {  	s15 =	smov.u32 s11;
	s11 =	sadd.s32 $0x1, s11  }
0x1f: {  	p0 =	seq.s32 s11, $0x4  }
0x20: {  	s11 =	simm.s32 @p0 $0x0  }
0x21: {  	p6 =	sne.s32 s14, $0x3;
	p1 =	sne.s32 s15, s11  }
0x22: {  	p0 =	por !p6, !p1  }
0x23: {  	p0 =	por !p0, !p0  }
0x24: {  	s16 =	sshll.u32 @p0 s11, $0xB  }
0x25: {  	s15 =	sand.u32 @p0 $0x1, s12;
	_ =	strace @p0 $0x80000049;
	s16 =	sadd.s32 @p0 s4, s16  }
0x26: {  	s18 =	simm.s32 @p0 $0x0;
	s17 =	sshll.u32 @p0 s15, $0xE;
	s16 =	sand.u32 @p0 $0x1FFFF800, s16  }
0x27: {  	s15 =	sadd.s32 @p0 $0x1, s15;
	s17 =	sor.u32 @p0 $0x8000, s17;
	s16 =	sadd.s32 @p0 s3, s16  }
0x28: {  	[tilespmem:s17], [sflag:s15] =	stream.linear.gather @p0 [hbm4b:s16+s18], $0x4000, $0x200038;
	[tilespmem:$0x10000] =	vst v63  }
0x29: {  	s30 =	sand.u32 $0x1, s13;
	_ =	strace @p0 $0x90000049  }
0x2a: {  	s31 =	sadd.s32 $0x1, s30;
	_ =	strace $0x8000004A  }
0x2b: {  	_ =	swait.ge [sflag:s31], $0x4000  }
0x2c: {  	[sflag:s31] =	ssyncset.done $0x0  }
0x2d: {  	[sflag:s31] =	ssyncadd.s32 $0xFFFFC000  }
0x2e: {  	s15 =	sshll.u32 s30, $0xE;
	_ =	strace $0x9000004A  }
0x2f: {  	s15 =	sor.u32 $0x8080, s15;
	_ =	strace $0x8000004B  }
0x30: {  	v2 =	vld [tilespmem:s15+$0x10]  }
0x31: {  	v3 =	vld [tilespmem:s15+$0x30]  }
0x32: {  	v4 =	vld [tilespmem:s15+$0x20]  }
0x33: {  	v5 =	vld [tilespmem:s15+$0x40]  }
0x34: {  	v6 =	vld [tilespmem:s15+$0xFFFFFF80]  }
0x35: {  	v7 =	vld [tilespmem:s15+$0x70]  }
0x36: {  	v8 =	vld [tilespmem:s15+$0xFFFFFFB0]  }
0x37: {  	v9 =	vld [tilespmem:s15+$0xFFFFFFC0]  }
0x38: {  	v11 =	vld [tilespmem:s15+$0xFFFFFFD0]  }
0x39: {  	v12 =	vld [tilespmem:s15+$0xFFFFFFE0];
	v10 =	vand.u32 $0xFFFF, v6  }
0x3a: {  	v13 =	vld [tilespmem:s15+$0x60];
	v14 =	vand.u32 $0xFFFF, v7  }
0x3b: {  	v15 =	vld [tilespmem:s15+$0x50];
	v6 =	vshrl.u32 v6, $0x10  }
0x3c: {  	v16 =	vld [tilespmem:s15+$0xFFFFFF90]  }
0x3d: {  	v17 =	vld [tilespmem:s15+$0xFFFFFFA0];
	v18 =	vand.u32 $0xFFFF, v5  }
0x3e: {  	v7 =	vshrl.u32 v7, $0x10;
	[tilespmem:v10+s1+$0x0] =	vst.idx.add.f32.msk $0xffff, v1  }
0x3f: {  	[tilespmem:v14+s1+$0x0] =	vst.idx.add.f32.msk $0xffff, v1  }
0x40: {  	[tilespmem:v6+s1+$0x0] =	vst.idx.add.f32.msk $0xffff, v1;
	v6 =	vand.u32 $0xFFFF, v13  }
0x41: {  	v10 =	vshrl.u32 v13, $0x10;
	v14 =	vld [tilespmem:s15+$0x0];
	v13 =	vand.u32 $0xFFFF, v15  }
0x42: {  	[tilespmem:v18+s1+$0x0] =	vst.idx.add.f32.msk $0xffff, v1  }
0x43: {  	[tilespmem:v7+s1+$0x0] =	vst.idx.add.f32.msk $0xffff, v1;
	v7 =	vshrl.u32 v15, $0x10  }
0x44: {  	v5 =	vshrl.u32 v5, $0x10;
	v15 =	vld [tilespmem:s15+$0xFFFFFFF0]  }
0x45: {  	[tilespmem:v6+s1+$0x0] =	vst.idx.add.f32.msk $0xffff, v1;
	v6 =	vand.u32 $0xFFFF, v4  }
0x46: {  	v4 =	vshrl.u32 v4, $0x10;
	[tilespmem:v13+s1+$0x0] =	vst.idx.add.f32.msk $0xffff, v1  }
0x47: {  	[tilespmem:v10+s1+$0x0] =	vst.idx.add.f32.msk $0xffff, v1;
	v10 =	vand.u32 $0xFFFF, v2  }
0x48: {  	[tilespmem:v7+s1+$0x0] =	vst.idx.add.f32.msk $0xffff, v1;
	v7 =	vand.u32 $0xFFFF, v14  }
0x49: {  	[tilespmem:v5+s1+$0x0] =	vst.idx.add.f32.msk $0xffff, v1;
	v5 =	vshrl.u32 v14, $0x10;
	v14 =	vand.u32 $0xFFFF, v15  }
0x4a: {  	v2 =	vshrl.u32 v2, $0x10;
	[tilespmem:v6+s1+$0x0] =	vst.idx.add.f32.msk $0xffff, v1  }
0x4b: {  	[tilespmem:v4+s1+$0x0] =	vst.idx.add.f32.msk $0xffff, v1  }
0x4c: {  	v15 =	vshrl.u32 v15, $0x10;
	[tilespmem:v10+s1+$0x0] =	vst.idx.add.f32.msk $0xffff, v1  }
0x4d: {  	v6 =	vand.u32 $0xFFFF, v3;
	[tilespmem:v7+s1+$0x0] =	vst.idx.add.f32.msk $0xffff, v1  }
0x4e: {  	v13 =	vshrl.u32 v3, $0x10;
	[tilespmem:v14+s1+$0x0] =	vst.idx.add.f32.msk $0xffff, v1  }
0x4f: {  	v10 =	vand.u32 $0xFFFF, v12;
	[tilespmem:v2+s1+$0x0] =	vst.idx.add.f32.msk $0xffff, v1  }
0x50: {  	v3 =	vshrl.u32 v8, $0x10;
	[tilespmem:v5+s1+$0x0] =	vst.idx.add.f32.msk $0xffff, v1;
	v2 =	vshrl.u32 v12, $0x10  }
0x51: {  	v8 =	vand.u32 $0xFFFF, v8;
	v4 =	vshrl.u32 v11, $0x10;
	v11 =	vand.u32 $0xFFFF, v11;
	[tilespmem:v15+s1+$0x0] =	vst.idx.add.f32.msk $0xffff, v1  }
0x52: {  	v7 =	vand.u32 $0xFFFF, v9;
	v12 =	vshrl.u32 v9, $0x10;
	v9 =	vand.u32 $0xFFFF, v17;
	[tilespmem:v6+s1+$0x0] =	vst.idx.add.f32.msk $0xffff, v1  }
0x53: {  	s16 =	simm.s32 $0x0;
	v5 =	vand.u32 $0xFFFF, v16;
	v6 =	vshrl.u32 v16, $0x10;
	[tilespmem:v13+s1+$0x0] =	vst.idx.add.f32.msk $0xffff, v1;
	v13 =	vshrl.u32 v17, $0x10  }
.LBB2_5:
0x54: {  	s16 =	sadd.s32 $0x100, s16;
	[tilespmem:v10+s1+$0x0] =	vst.idx.add.f32.msk $0xffff, v1;
	s15 =	sadd.s32 $0x100, s15  }
0x55: {  	p2 =	slt.u32 s16, $0x3F00;
	[tilespmem:v2+s1+$0x0] =	vst.idx.add.f32.msk $0xffff, v1  }
0x56: {  	[tilespmem:v11+s1+$0x0] =	vst.idx.add.f32.msk $0xffff, v1  }
0x57: {  	[tilespmem:v4+s1+$0x0] =	vst.idx.add.f32.msk $0xffff, v1  }
0x58: {  	[tilespmem:v7+s1+$0x0] =	vst.idx.add.f32.msk $0xffff, v1  }
0x59: {  	[tilespmem:v12+s1+$0x0] =	vst.idx.add.f32.msk $0xffff, v1  }
0x5a: {  	[tilespmem:v8+s1+$0x0] =	vst.idx.add.f32.msk $0xffff, v1  }
0x5b: {  	[tilespmem:v3+s1+$0x0] =	vst.idx.add.f32.msk $0xffff, v1  }
0x5c: {  	[tilespmem:v9+s1+$0x0] =	vst.idx.add.f32.msk $0xffff, v1  }
0x5d: {  	[tilespmem:v13+s1+$0x0] =	vst.idx.add.f32.msk $0xffff, v1  }
0x5e: {  	[tilespmem:v5+s1+$0x0] =	vst.idx.add.f32.msk $0xffff, v1  }
0x5f: {  	[tilespmem:v6+s1+$0x0] =	vst.idx.add.f32.msk $0xffff, v1  }
0x60: {  	v2 =	vld [tilespmem:s15+$0x10]  }
0x61: {  	v3 =	vld [tilespmem:s15+$0x30]  }
0x62: {  	v4 =	vld [tilespmem:s15+$0x20]  }
0x63: {  	v5 =	vld [tilespmem:s15+$0x40]  }
0x64: {  	v6 =	vld [tilespmem:s15+$0xFFFFFF80]  }
0x65: {  	v7 =	vld [tilespmem:s15+$0x70]  }
0x66: {  	v8 =	vld [tilespmem:s15+$0xFFFFFFB0]  }
0x67: {  	v9 =	vld [tilespmem:s15+$0xFFFFFFC0]  }
0x68: {  	v11 =	vld [tilespmem:s15+$0xFFFFFFD0]  }
0x69: {  	v10 =	vand.u32 $0xFFFF, v6;
	v12 =	vld [tilespmem:s15+$0xFFFFFFE0]  }
0x6a: {  	v6 =	vshrl.u32 v6, $0x10;
	v13 =	vld [tilespmem:s15+$0x60];
	v14 =	vand.u32 $0xFFFF, v7  }
0x6b: {  	v15 =	vld [tilespmem:s15+$0x50]  }
0x6c: {  	v7 =	vshrl.u32 v7, $0x10;
	v16 =	vld [tilespmem:s15+$0xFFFFFF90]  }
0x6d: {  	v17 =	vld [tilespmem:s15+$0xFFFFFFA0]  }
0x6e: {  	[tilespmem:v10+s1+$0x0] =	vst.idx.add.f32.msk $0xffff, v1  }
0x6f: {  	[tilespmem:v6+s1+$0x0] =	vst.idx.add.f32.msk $0xffff, v1;
	v6 =	vand.u32 $0xFFFF, v13  }
0x70: {  	v13 =	vshrl.u32 v13, $0x10;
	v10 =	vand.u32 $0xFFFF, v15;
	[tilespmem:v14+s1+$0x0] =	vst.idx.add.f32.msk $0xffff, v1  }
0x71: {  	v14 =	vshrl.u32 v15, $0x10;
	[tilespmem:v7+s1+$0x0] =	vst.idx.add.f32.msk $0xffff, v1  }
0x72: {  	v7 =	vld [tilespmem:s15+$0x0]  }
0x73: {  	v18 =	vand.u32 $0xFFFF, v5;
	v15 =	vld [tilespmem:s15+$0xFFFFFFF0]  }
0x74: {  	v5 =	vshrl.u32 v5, $0x10;
	[tilespmem:v6+s1+$0x0] =	vst.idx.add.f32.msk $0xffff, v1  }
0x75: {  	v6 =	vand.u32 $0xFFFF, v4;
	[tilespmem:v13+s1+$0x0] =	vst.idx.add.f32.msk $0xffff, v1  }
0x76: {  	v19 =	vshrl.u32 v4, $0x10;
	v13 =	vand.u32 $0xFFFF, v2;
	[tilespmem:v10+s1+$0x0] =	vst.idx.add.f32.msk $0xffff, v1  }
0x77: {  	v22 =	vshrl.u32 v2, $0x10;
	v20 =	vshrl.u32 v7, $0x10;
	v21 =	vand.u32 $0xFFFF, v7;
	[tilespmem:v14+s1+$0x0] =	vst.idx.add.f32.msk $0xffff, v1  }
0x78: {  	v23 =	vand.u32 $0xFFFF, v3;
	v14 =	vshrl.u32 v15, $0x10;
	v15 =	vand.u32 $0xFFFF, v15;
	[tilespmem:v18+s1+$0x0] =	vst.idx.add.f32.msk $0xffff, v1  }
0x79: {  	v2 =	vshrl.u32 v12, $0x10;
	v10 =	vand.u32 $0xFFFF, v12;
	v18 =	vshrl.u32 v3, $0x10;
	[tilespmem:v5+s1+$0x0] =	vst.idx.add.f32.msk $0xffff, v1  }
0x7a: {  	v4 =	vshrl.u32 v11, $0x10;
	v11 =	vand.u32 $0xFFFF, v11;
	[tilespmem:v6+s1+$0x0] =	vst.idx.add.f32.msk $0xffff, v1  }
0x7b: {  	v7 =	vand.u32 $0xFFFF, v9;
	[tilespmem:v19+s1+$0x0] =	vst.idx.add.f32.msk $0xffff, v1  }
0x7c: {  	v12 =	vshrl.u32 v9, $0x10;
	v3 =	vshrl.u32 v8, $0x10;
	v8 =	vand.u32 $0xFFFF, v8;
	[tilespmem:v13+s1+$0x0] =	vst.idx.add.f32.msk $0xffff, v1  }
0x7d: {  	v9 =	vand.u32 $0xFFFF, v17;
	[tilespmem:v21+s1+$0x0] =	vst.idx.add.f32.msk $0xffff, v1  }
0x7e: {  	v5 =	vand.u32 $0xFFFF, v16;
	v13 =	vshrl.u32 v17, $0x10;
	[tilespmem:v22+s1+$0x0] =	vst.idx.add.f32.msk $0xffff, v1  }
.Ltmp1:
0x7f: {  	v6 =	vshrl.u32 v16, $0x10;
	[tilespmem:v20+s1+$0x0] =	vst.idx.add.f32.msk $0xffff, v1;
	(pc) =	sbr.rel @p2 .LBB2_5-.Ltmp1, $4  }
0x80: {  	[tilespmem:v23+s1+$0x0] =	vst.idx.add.f32.msk $0xffff, v1  }
0x81: {  	[tilespmem:v18+s1+$0x0] =	vst.idx.add.f32.msk $0xffff, v1  }
0x82: {  	[tilespmem:v15+s1+$0x0] =	vst.idx.add.f32.msk $0xffff, v1  }
0x83: {  	[tilespmem:v14+s1+$0x0] =	vst.idx.add.f32.msk $0xffff, v1  }
0x84: {  	_ =	sdelay $0x3  }
0x85: {  	[tilespmem:v10+s1+$0x0] =	vst.idx.add.f32.msk $0xffff, v1  }
0x86: {  	[tilespmem:v11+s1+$0x0] =	vst.idx.add.f32.msk $0xffff, v1  }
0x87: {  	[tilespmem:v7+s1+$0x0] =	vst.idx.add.f32.msk $0xffff, v1  }
0x88: {  	[tilespmem:v8+s1+$0x0] =	vst.idx.add.f32.msk $0xffff, v1  }
0x89: {  	[tilespmem:v9+s1+$0x0] =	vst.idx.add.f32.msk $0xffff, v1  }
0x8a: {  	[tilespmem:v5+s1+$0x0] =	vst.idx.add.f32.msk $0xffff, v1  }
0x8b: {  	p2 =	seq.s32 s14, $0x3;
	s15 =	simm.s32 $0x1;
	s14 =	sadd.s32 $0x1, s14;
	[tilespmem:v2+s1+$0x0] =	vst.idx.add.f32.msk $0xffff, v1  }
0x8c: {  	[tilespmem:v4+s1+$0x0] =	vst.idx.add.f32.msk $0xffff, v1;
	s15 =	simm.s32 @!p0 $0x0;
	p0 =	sne.s32 s14, $0x4  }
.Ltmp2:
0x8d: {  	[tilespmem:v12+s1+$0x0] =	vst.idx.add.f32.msk $0xffff, v1;
	(pc) =	sbr.rel @p0 .LBB2_4-.Ltmp2, $4  }
0x8e: {  	[tilespmem:v3+s1+$0x0] =	vst.idx.add.f32.msk $0xffff, v1  }
0x8f: {  	s16 =	simm.s32 $0x1;
	[tilespmem:v13+s1+$0x0] =	vst.idx.add.f32.msk $0xffff, v1;
	p1 =	por p2, p1  }
0x90: {  	[tilespmem:v6+s1+$0x0] =	vst.idx.add.f32.msk $0xffff, v1;
	s16 =	simm.s32 @!p1 $0x0  }
0x91: {  	s12 =	sadd.s32 s15, s12;
	_ =	strace $0x9000004B;
	s13 =	sadd.s32 s16, s13  }
0x92: {  	s10 =	sadd.s32 $0x1, s10  }
0x93: {  	p0 =	sne.s32 s10, s7  }
.Ltmp3:
0x94: {  	_ = 	snop;
	(pc) =	sbr.rel @p0 .LBB2_1-.Ltmp3, $4  }
0x95: {  	[hbm4b:s6+s1] =	stream.linear.scatter [tilespmem:s1], [sflag:$0x1], $0x8000, $0x38;
	[tilespmem:$0x10000] =	vst v63  }
0x96: {  	_ =	swait.ge [sflag:s9], $0x8000  }
0x97: {  	[sflag:s9] =	ssyncset.done $0x0  }
0x98: {  	[sflag:s9] =	ssyncadd.s32 $0xFFFF8000  }
0x99: {  	_ =	sfence.sel $0x180000  }
0x9a: {  	[bflag:$0x0] =	sbarrier.arrive $0xFFFF  }
0x9b: {  	p0 =	sne.s32 s2, $0x0;
	_ =	strace $0x90000047  }
0x9c: {  	s0 =	sadd.s32 @!p0 $0x100000, s0;
	[bflag:$0x2] =	sbarrier.arrive $0xFFFF  }
0x9d: {  	[sflag:s0] =	ssyncadd.tile.s32 @!p0 $0x1;
	_ =	shalt  }
.Lfunc_end2:
_tile_overlayer_lowered:
.L_overlay_start_2:
0x9e: {  	(tag) =	ssettag $0x2  }
0x9f: {  	s0 =	rddreg [dreg:$0x0];
	s2 =	stileid.u32  }
0xa0: {  	s1 =	rddreg [dreg:$0x1];
	p0 =	sne.s32 s2, $0x0  }
0xa1: {  	s3 =	rddreg [dreg:$0x2];
	[bflag:$0x3] =	sbarrier.arrive $0xFFFF;
	s2 =	simm.s32 @!p0 $0x1C01  }
0xa2: {  	[timem:s3], [sflag:s2] =	dma.local @!p0 [hbm:s0], s1  }
0xa3: {  	s0 =	simm.s32 @!p0 $0x1  }
0xa4: {  	_ =	swait.ge @!p0 [sflag:s0], s1  }
0xa5: {  	s1 =	ssub.s32 @!p0 $0x0, s1;
	[sflag:s0] =	ssyncset.done @!p0 $0x0  }
0xa6: {  	[sflag:s0] =	ssyncadd.s32 @!p0 s1  }
0xa7: {  	[bflag:$0x3] =	sbarrier.arrive $0xFFFF  }
0xa8: {  	_ =	shalt  }

</sc_bundles>
